<compile_context>
chip_gen: v7x
topology: tpu7x:2x2x1
jax: 0.10.2.dev20260603
libtpu: 0.0.44.dev20260713+nightly
codegen_flags: <defaults>
</compile_context>

<pallas_src>
import functools

import jax
import jax.numpy as jnp
from jax import lax
from jax.experimental import pallas as pl
from jax.experimental.pallas import tpu as pltpu
from jax.experimental.pallas import tpu_sc as plsc

N = 10000
D = 128
NP = 10240
NC = 2
NS = 16
NW = NC * NS
C = 64
C2 = 128
ROWS_PER_TILE = NP // NS


def _dual_matmul_body(x_ref, wa_ref, wb_ref, a_ref, b_ref):
    xv = x_ref[...]
    dn = (((1,), (1,)), ((), ()))
    a_ref[...] = lax.dot_general(xv, wa_ref[...], dn, preferred_element_type=jnp.float32)
    b_ref[...] = lax.dot_general(xv, wb_ref[...], dn, preferred_element_type=jnp.float32)


def _tc_dual_matmul(x, wa, wb, br=2048):
    n = x.shape[0]
    return pl.pallas_call(
        _dual_matmul_body,
        grid=(n // br,),
        in_specs=[
            pl.BlockSpec((br, D), lambda i: (i, 0)),
            pl.BlockSpec((D, D), lambda i: (0, 0)),
            pl.BlockSpec((D, D), lambda i: (0, 0)),
        ],
        out_specs=[
            pl.BlockSpec((br, D), lambda i: (i, 0)),
            pl.BlockSpec((br, D), lambda i: (i, 0)),
        ],
        out_shape=[
            jax.ShapeDtypeStruct((n, D), jnp.float32),
            jax.ShapeDtypeStruct((n, D), jnp.float32),
        ],
    )(x, wa, wb)


def _mid_body(a0_ref, a1_ref, c0_ref, c1_ref, r_ref, b_ref, wa_ref, wb_ref,
              g_ref, rr_ref):
    cnt = c0_ref[:, 0] + c1_ref[:, 0]
    inv = 1.0 / jnp.maximum(cnt, 1.0)
    mean = (a0_ref[...] + a1_ref[...]) * inv[:, None]
    h = jnp.maximum(mean + r_ref[...] + b_ref[...][None, :], 0.0)
    dn = (((1,), (1,)), ((), ()))
    g_ref[...] = lax.dot_general(h, wa_ref[...], dn, preferred_element_type=jnp.float32)
    rr_ref[...] = lax.dot_general(h, wb_ref[...], dn, preferred_element_type=jnp.float32)


def _tc_mid(agg0, agg1, c0, c1, r, b, wa, wb, br=2048):
    n = r.shape[0]
    return pl.pallas_call(
        _mid_body,
        grid=(n // br,),
        in_specs=[
            pl.BlockSpec((br, D), lambda i: (i, 0)),
            pl.BlockSpec((br, D), lambda i: (i, 0)),
            pl.BlockSpec((br, D), lambda i: (i, 0)),
            pl.BlockSpec((br, D), lambda i: (i, 0)),
            pl.BlockSpec((br, D), lambda i: (i, 0)),
            pl.BlockSpec((D,), lambda i: (0,)),
            pl.BlockSpec((D, D), lambda i: (0, 0)),
            pl.BlockSpec((D, D), lambda i: (0, 0)),
        ],
        out_specs=[
            pl.BlockSpec((br, D), lambda i: (i, 0)),
            pl.BlockSpec((br, D), lambda i: (i, 0)),
        ],
        out_shape=[
            jax.ShapeDtypeStruct((n, D), jnp.float32),
            jax.ShapeDtypeStruct((n, D), jnp.float32),
        ],
    )(agg0, agg1, c0, c1, r, b, wa, wb)


def _final_body(a0_ref, a1_ref, c0_ref, c1_ref, r_ref, b_ref, o_ref):
    cnt = c0_ref[:, 0] + c1_ref[:, 0]
    inv = 1.0 / jnp.maximum(cnt, 1.0)
    mean = (a0_ref[...] + a1_ref[...]) * inv[:, None]
    o_ref[...] = mean + r_ref[...] + b_ref[...][None, :]


def _tc_final(agg0, agg1, c0, c1, r, b, br=2048):
    n = r.shape[0]
    return pl.pallas_call(
        _final_body,
        grid=(n // br,),
        in_specs=[
            pl.BlockSpec((br, D), lambda i: (i, 0)),
            pl.BlockSpec((br, D), lambda i: (i, 0)),
            pl.BlockSpec((br, D), lambda i: (i, 0)),
            pl.BlockSpec((br, D), lambda i: (i, 0)),
            pl.BlockSpec((br, D), lambda i: (i, 0)),
            pl.BlockSpec((D,), lambda i: (0,)),
        ],
        out_specs=pl.BlockSpec((br, D), lambda i: (i, 0)),
        out_shape=jax.ShapeDtypeStruct((n, D), jnp.float32),
    )(agg0, agg1, c0, c1, r, b)


def _sc_body(n_chunks, g_hbm, src_hbm, dst_hbm, agg_out,
             sa_v, da_v, sb_v, db_v, rows_a, rows_b, z_v, acc_sh,
             sem_a, sem_b, sem_ia, sem_ib):
    cid = lax.axis_index("c")
    sid = lax.axis_index("s")
    wid = cid * NS + sid
    r0 = sid * ROWS_PER_TILE
    base = wid * n_chunks

    def zfill(k, _):
        i = k // (D // 16)
        j = k % (D // 16)
        z_v[i, pl.ds(j * 16, 16)] = jnp.zeros((16,), jnp.float32)
        return 0
    lax.fori_loop(0, 16 * (D // 16), zfill, 0)

    def zinit(i, _):
        pltpu.sync_copy(z_v, acc_sh.at[pl.ds(r0 + i * 16, 16)])
        return 0
    lax.fori_loop(0, ROWS_PER_TILE // 16, zinit, 0)

    plsc.subcore_barrier()

    def issue_i(i, s_v, d_v, sem):
        pltpu.async_copy(src_hbm.at[base + i], s_v, sem)
        pltpu.async_copy(dst_hbm.at[base + i], d_v, sem)

    def wait_i(s_v, d_v, sem):
        pltpu.make_async_copy(src_hbm.at[0], s_v, sem).wait()
        pltpu.make_async_copy(dst_hbm.at[0], d_v, sem).wait()

    def issue_g(s_v, rows, sem):
        pltpu.async_copy(g_hbm.at[s_v], rows, sem)

    def wait_g(s_v, rows, sem):
        pltpu.make_async_copy(g_hbm.at[s_v], rows, sem).wait()

    def scat(d_v, rows):
        pltpu.sync_copy(rows, acc_sh.at[d_v], add=True)

    issue_i(0, sa_v, da_v, sem_ia)
    wait_i(sa_v, da_v, sem_ia)
    issue_g(sa_v, rows_a, sem_a)
    issue_i(1, sb_v, db_v, sem_ib)

    pairs = (n_chunks - 1) // 2

    def step(k, _):
        i0 = 2 * k
        wait_i(sb_v, db_v, sem_ib)
        issue_g(sb_v, rows_b, sem_b)
        wait_g(sa_v, rows_a, sem_a)
        scat(da_v, rows_a)
        issue_i(i0 + 2, sa_v, da_v, sem_ia)
        wait_i(sa_v, da_v, sem_ia)
        issue_g(sa_v, rows_a, sem_a)
        wait_g(sb_v, rows_b, sem_b)
        scat(db_v, rows_b)
        issue_i(i0 + 3, sb_v, db_v, sem_ib)
        return 0
    lax.fori_loop(0, pairs, step, 0)

    wait_g(sa_v, rows_a, sem_a)
    scat(da_v, rows_a)
    wait_i(sb_v, db_v, sem_ib)

    plsc.subcore_barrier()

    pltpu.sync_copy(acc_sh.at[pl.ds(r0, ROWS_PER_TILE)],
                    agg_out.at[pl.ds(cid * NP + r0, ROWS_PER_TILE)])


def _make_sc_segsum(n_chunks):
    mesh = plsc.VectorSubcoreMesh(core_axis_name="c", subcore_axis_name="s")
    out_type = jax.ShapeDtypeStruct((NC * NP, D), jnp.float32)
    scratch = [
        pltpu.VMEM((C2,), jnp.int32),
        pltpu.VMEM((C2,), jnp.int32),
        pltpu.VMEM((C2,), jnp.int32),
        pltpu.VMEM((C2,), jnp.int32),
        pltpu.VMEM((C2, D), jnp.float32),
        pltpu.VMEM((C2, D), jnp.float32),
        pltpu.VMEM((16, D), jnp.float32),
        pltpu.VMEM_SHARED((NP, D), jnp.float32),
        pltpu.SemaphoreType.DMA,
        pltpu.SemaphoreType.DMA,
        pltpu.SemaphoreType.DMA,
        pltpu.SemaphoreType.DMA,
    ]
    return pl.kernel(functools.partial(_sc_body, n_chunks),
                     out_type=out_type, mesh=mesh, scratch_types=scratch)


def _sc_count_body(n_chunks, dst_hbm, cnt_out, dst_v, ones_v, z_v, acc_sh, sem):
    cid = lax.axis_index("c")
    sid = lax.axis_index("s")
    wid = cid * NS + sid
    r0 = sid * ROWS_PER_TILE

    def zfill(k, _):
        i = k // (D // 16)
        j = k % (D // 16)
        z_v[i, pl.ds(j * 16, 16)] = jnp.zeros((16,), jnp.float32)
        return 0
    lax.fori_loop(0, 16 * (D // 16), zfill, 0)

    def zinit(i, _):
        pltpu.sync_copy(z_v, acc_sh.at[pl.ds(r0 + i * 16, 16)])
        return 0
    lax.fori_loop(0, ROWS_PER_TILE // 16, zinit, 0)

    def onesfill(k, _):
        i = k // (D // 16)
        j = k % (D // 16)
        ones_v[i, pl.ds(j * 16, 16)] = jnp.ones((16,), jnp.float32)
        return 0
    lax.fori_loop(0, C2 * (D // 16), onesfill, 0)

    pltpu.sync_copy(dst_hbm.at[pl.ds(wid * n_chunks, n_chunks)], dst_v)

    plsc.subcore_barrier()

    def step(i, _):
        pltpu.sync_copy(ones_v, acc_sh.at[dst_v.at[i]], add=True)
        return 0
    lax.fori_loop(0, n_chunks, step, 0)

    plsc.subcore_barrier()

    pltpu.sync_copy(acc_sh.at[pl.ds(r0, ROWS_PER_TILE)],
                    cnt_out.at[pl.ds(cid * NP + r0, ROWS_PER_TILE)])


def _make_sc_count(n_chunks):
    mesh = plsc.VectorSubcoreMesh(core_axis_name="c", subcore_axis_name="s")
    out_type = jax.ShapeDtypeStruct((NC * NP, D), jnp.float32)
    scratch = [
        pltpu.VMEM((n_chunks, C2), jnp.int32),
        pltpu.VMEM((C2, D), jnp.float32),
        pltpu.VMEM((16, D), jnp.float32),
        pltpu.VMEM_SHARED((NP, D), jnp.float32),
        pltpu.SemaphoreType.DMA,
    ]
    return pl.kernel(functools.partial(_sc_count_body, n_chunks),
                     out_type=out_type, mesh=mesh, scratch_types=scratch)


def kernel(x, edge_index, W1l, b1, W1r, W2l, b2, W2r):
    E = edge_index.shape[1]
    n_chunks = -(-E // (NW * C2))
    if n_chunks % 2 == 0:
        n_chunks += 1
    e_pad = n_chunks * C2 * NW
    src = jnp.concatenate([edge_index[0], jnp.zeros((e_pad - E,), jnp.int32)])
    dst = jnp.concatenate([edge_index[1], jnp.full((e_pad - E,), N, jnp.int32)])
    zrows = jnp.zeros((8, C2), jnp.int32)
    src2 = jnp.concatenate([src.reshape(NW * n_chunks, C2), zrows])
    dst2 = jnp.concatenate([dst.reshape(NW * n_chunks, C2), zrows])
    nc = -(-(-(-E // (NW * C2))) // 8) * 8
    ec_pad = nc * C2 * NW
    dstc = jnp.concatenate(
        [edge_index[1], jnp.full((ec_pad - E,), N, jnp.int32)]
    ).reshape(NW * nc, C2)
    x_p = jnp.pad(x, ((0, NP - N), (0, 0)))

    sc_segsum = _make_sc_segsum(n_chunks)
    sc_count = _make_sc_count(nc)

    cntp = sc_count(dstc)
    g1, r1 = _tc_dual_matmul(x_p, W1l, W1r)
    agg1p = sc_segsum(g1, src2, dst2)
    g2, r2 = _tc_mid(agg1p[:NP], agg1p[NP:], cntp[:NP], cntp[NP:],
                     r1, b1, W2l, W2r)
    agg2p = sc_segsum(g2, src2, dst2)
    out = _tc_final(agg2p[:NP], agg2p[NP:], cntp[:NP], cntp[NP:], r2, b2)
    return out[:N]

# --- scband reference (transcript-rebuilt; emitter-appended) ---
"""Pipeline reference for scband-graph-sage-46153718563001 (READ-ONLY COPY).

The authoritative reference and input builder live on the scoring server;
editing this copy changes nothing except your own understanding.
"""

import jax, jax.numpy as jnp
import numpy as np

N = 10000
E = 320000
D = 128


def setup_inputs(seed: int = 0) -> dict:
    key = jax.random.key(seed)
    ks = jax.random.split(key, 10)
    x = jax.random.normal(ks[0], (N, D), dtype=jnp.float32)
    edge_index = jax.random.randint(ks[1], (2, E), 0, N, dtype=jnp.int32)
    scale = 0.05
    # SAGEConv layer 1 (in=128 -> hidden=128): lin_l (neighbor agg), lin_r (root)
    W1l = jax.random.normal(ks[2], (D, D), dtype=jnp.float32) * scale
    b1 = jnp.zeros((D,), dtype=jnp.float32)
    W1r = jax.random.normal(ks[3], (D, D), dtype=jnp.float32) * scale
    # SAGEConv layer 2 (hidden=128 -> out=128)
    W2l = jax.random.normal(ks[4], (D, D), dtype=jnp.float32) * scale
    b2 = jnp.zeros((D,), dtype=jnp.float32)
    W2r = jax.random.normal(ks[5], (D, D), dtype=jnp.float32) * scale
    return {"x": x, "edge_index": edge_index, "W1l": W1l, "b1": b1, "W1r": W1r,
            "W2l": W2l, "b2": b2, "W2r": W2r}


def _sage_conv(h, edge_index, Wl, b, Wr):
    # PyG SAGEConv with mean aggregation:
    #   out = lin_l(mean_{j in N(i)} h_j) + lin_r(h_i)
    src = edge_index[0]
    dst = edge_index[1]
    msg = jnp.take(h, src, axis=0)                       # gather: [E, D]
    agg = jax.ops.segment_sum(msg, dst, num_segments=N)  # scatter-add: [N, D]
    cnt = jax.ops.segment_sum(jnp.ones((msg.shape[0],), dtype=h.dtype), dst, num_segments=N)
    mean = agg / jnp.maximum(cnt, 1.0)[:, None]
    return mean @ Wl.T + b + h @ Wr.T


def reference(x, edge_index, W1l, b1, W1r, W2l, b2, W2r):
    h = _sage_conv(x, edge_index, W1l, b1, W1r)
    h = jax.nn.relu(h)
    h = _sage_conv(h, edge_index, W2l, b2, W2r)
    return h

if __name__ == "__main__":
    import jax
    _d = setup_inputs()
    print(jax.jit(kernel)(*tuple(_d.values())))

</pallas_src>

<mosaic_0001>
#map = affine_map<(d0, d1) -> (0, 0)>
module attributes {stable_mosaic.version = 14 : i64} {
  func.func @_sc_body(%arg0: i32, %arg1: i32, %arg2: memref<10240x128xf32, #tpu.memory_space<hbm>>, %arg3: memref<2536x128xi32, #tpu.memory_space<hbm>>, %arg4: memref<2536x128xi32, #tpu.memory_space<hbm>>, %arg5: memref<20480x128xf32, #tpu.memory_space<hbm>>, %arg6: memref<128xi32, #tpu.memory_space<vmem>>, %arg7: memref<128xi32, #tpu.memory_space<vmem>>, %arg8: memref<128xi32, #tpu.memory_space<vmem>>, %arg9: memref<128xi32, #tpu.memory_space<vmem>>, %arg10: memref<128x128xf32, #tpu.memory_space<vmem>>, %arg11: memref<128x128xf32, #tpu.memory_space<vmem>>, %arg12: memref<16x128xf32, #tpu.memory_space<vmem>>, %arg13: memref<10240x128xf32, #tpu.memory_space<vmem_shared>>, %arg14: memref<!tpu.dma_semaphore, #tpu.memory_space<semaphore_mem>>, %arg15: memref<!tpu.dma_semaphore, #tpu.memory_space<semaphore_mem>>, %arg16: memref<!tpu.dma_semaphore, #tpu.memory_space<semaphore_mem>>, %arg17: memref<!tpu.dma_semaphore, #tpu.memory_space<semaphore_mem>>) attributes {dimension_semantics = [#tpu.dimension_semantics<core_parallel>, #tpu.dimension_semantics<subcore_parallel>], iteration_bounds = array<i64: 2, 16>, scalar_prefetch = 0 : i64, scratch_operands = 12 : i64, tpu.core_type = #tpu.core_type<sc_vector_subcore>, window_params = [{transform_indices = #map}, {transform_indices = #map}, {transform_indices = #map}, {transform_indices = #map}]} {
    %mul3A = arith.constant 16 : i32
    %mul3A_0 = arith.muli %arg0, %mul3A : i32
    %add3A = arith.addi %mul3A_0, %arg1 : i32
    %mul3A_1 = arith.constant 640 : i32
    %mul3A_2 = arith.muli %arg1, %mul3A_1 : i32
    %mul3A_3 = arith.constant 79 : i32
    %mul3A_4 = arith.muli %add3A, %mul3A_3 : i32
    %scan3A = arith.constant 0 : i32
    %scan3A_5 = arith.constant 0 : i32
    %scan3A_6 = arith.constant 128 : i32
    %scan3A_7 = arith.addi %scan3A_5, %scan3A_6 : i32
    %scan3A_8 = arith.constant 1 : i32
    %scan3A_9 = scf.for %scan3A_93 = %scan3A_5 to %scan3A_7 step %scan3A_8 iter_args(%scan3A_94 = %scan3A) -> (i32)  : i32 {
      %jit3A = arith.constant 8 : i32
      %div3A = arith.divsi %scan3A_93, %jit3A : i32
      %sign3A = arith.constant 0 : i32
      %sign3A_95 = arith.cmpi sgt, %scan3A_93, %sign3A : i32
      %sign3A_96 = arith.extui %sign3A_95 : i1 to i32
      %sign3A_97 = arith.constant 0 : i32
      %sign3A_98 = arith.cmpi slt, %scan3A_93, %sign3A_97 : i32
      %sign3A_99 = arith.extui %sign3A_98 : i1 to i32
      %sign3A_100 = arith.subi %sign3A_96, %sign3A_99 : i32
      %sign3A_101 = arith.constant 0 : i32
      %sign3A_102 = arith.cmpi sgt, %jit3A, %sign3A_101 : i32
      %sign3A_103 = arith.extui %sign3A_102 : i1 to i32
      %sign3A_104 = arith.constant 0 : i32
      %sign3A_105 = arith.cmpi slt, %jit3A, %sign3A_104 : i32
      %sign3A_106 = arith.extui %sign3A_105 : i1 to i32
      %sign3A_107 = arith.subi %sign3A_103, %sign3A_106 : i32
      %ne3A = arith.cmpi ne, %sign3A_100, %sign3A_107 : i32
      %rem3A = arith.remsi %scan3A_93, %jit3A : i32
      %ne3A_108 = arith.constant 0 : i32
      %ne3A_109 = arith.cmpi ne, %rem3A, %ne3A_108 : i32
      %and3A = arith.andi %ne3A, %ne3A_109 : i1
      %sub3A = arith.constant 1 : i32
      %sub3A_110 = arith.subi %div3A, %sub3A : i32
      %select_n3A = arith.select %and3A, %sub3A_110, %div3A : i32
      %jit3A_111 = arith.constant 8 : i32
      %eq3A = arith.constant 0 : i32
      %eq3A_112 = arith.cmpi eq, %jit3A_111, %eq3A : i32
      %jit3A_113 = arith.constant 1 : i32
      %select_n3A_114 = arith.select %eq3A_112, %jit3A_113, %jit3A_111 : i32
      %rem3A_115 = arith.remsi %scan3A_93, %select_n3A_114 : i32
      %ne3A_116 = arith.constant 0 : i32
      %ne3A_117 = arith.cmpi ne, %rem3A_115, %ne3A_116 : i32
      %lt3A = arith.constant 0 : i32
      %lt3A_118 = arith.cmpi slt, %rem3A_115, %lt3A : i32
      %lt3A_119 = arith.constant 0 : i32
      %lt3A_120 = arith.cmpi slt, %select_n3A_114, %lt3A_119 : i32
      %ne3A_121 = arith.xori %lt3A_118, %lt3A_120 : i1
      %and3A_122 = arith.andi %ne3A_121, %ne3A_117 : i1
      %add3A_123 = arith.addi %rem3A_115, %select_n3A_114 : i32
      %select_n3A_124 = arith.select %and3A_122, %add3A_123, %rem3A_115 : i32
      %broadcast_in_dim3A = arith.constant 0.000000e+00 : f32
      %broadcast_in_dim3A_125 = vector.broadcast %broadcast_in_dim3A : f32 to vector<16xf32>
      %mul3A_126 = arith.constant 16 : i32
      %mul3A_127 = arith.muli %select_n3A_124, %mul3A_126 : i32
      %swap3A = arith.index_cast %select_n3A : i32 to index
      %swap3A_128 = arith.index_cast %mul3A_127 : i32 to index
      %swap3A_129 = tpu.vector_load %arg12[%swap3A, %swap3A_128] {strides = array<i32>} : memref<16x128xf32, #tpu.memory_space<vmem>>, vector<1x16xf32>,
      %swap3A_130 = vector.shape_cast %swap3A_129 : vector<1x16xf32> to vector<16xf32>
      %swap3A_131 = vector.shape_cast %broadcast_in_dim3A_125 : vector<16xf32> to vector<1x16xf32>
      tpu.vector_store %arg12[%swap3A, %swap3A_128], %swap3A_131 {strides = array<i32>} : memref<16x128xf32, #tpu.memory_space<vmem>>, vector<1x16xf32>,
      %scan3A_132 = arith.constant 0 : i32
      scf.yield %scan3A_132 : i32
    }
    %scan3A_10 = arith.constant 128 : i32
    %scan3A_11 = arith.constant 0 : i32
    %scan3A_12 = arith.constant 0 : i32
    %scan3A_13 = arith.constant 40 : i32
    %scan3A_14 = arith.addi %scan3A_12, %scan3A_13 : i32
    %scan3A_15 = arith.constant 1 : i32
    %scan3A_16 = scf.for %scan3A_93 = %scan3A_12 to %scan3A_14 step %scan3A_15 iter_args(%scan3A_94 = %scan3A_11) -> (i32)  : i32 {
      %mul3A_95 = arith.constant 16 : i32
      %mul3A_96 = arith.muli %scan3A_93, %mul3A_95 : i32
      %add3A_97 = arith.addi %mul3A_2, %mul3A_96 : i32
      "tpu.region"() ({
        %run_scoped3A = tpu.sem_alloc : memref<!tpu.dma_semaphore, #tpu.memory_space<semaphore_mem>>
        %dma_start3A_99 = arith.constant 0 : i32
        %dma_start3A_100 = tpu.memref_slice %arg13[%add3A_97, %dma_start3A_99] : memref<10240x128xf32, #tpu.memory_space<vmem_shared>> -> memref<16x128xf32, #tpu.memory_space<vmem_shared>>
        %dma_start3A_101 = arith.constant 0 : i32
        %dma_start3A_102 = tpu.memref_slice %arg13[%add3A_97, %dma_start3A_101] : memref<10240x128xf32, #tpu.memory_space<vmem_shared>> -> memref<16x128xf32, #tpu.memory_space<vmem_shared>>
        tpu.enqueue_dma source(%arg12 : memref<16x128xf32, #tpu.memory_space<vmem>>) target(%dma_start3A_102 : memref<16x128xf32, #tpu.memory_space<vmem_shared>>) target_semaphore(%run_scoped3A : memref<!tpu.dma_semaphore, #tpu.memory_space<semaphore_mem>>)
        %dma_wait3A_103 = arith.constant 0 : i32
        %dma_wait3A_104 = tpu.memref_slice %arg13[%add3A_97, %dma_wait3A_103] : memref<10240x128xf32, #tpu.memory_space<vmem_shared>> -> memref<16x128xf32, #tpu.memory_space<vmem_shared>>
        %dma_wait3A_105 = arith.constant 0 : i32
        %dma_wait3A_106 = tpu.memref_slice %arg13[%add3A_97, %dma_wait3A_105] : memref<10240x128xf32, #tpu.memory_space<vmem_shared>> -> memref<16x128xf32, #tpu.memory_space<vmem_shared>>
        tpu.wait_dma2 semaphore(%run_scoped3A : memref<!tpu.dma_semaphore, #tpu.memory_space<semaphore_mem>>) src(%arg12 : memref<16x128xf32, #tpu.memory_space<vmem>>) dst(%dma_wait3A_106 : memref<16x128xf32, #tpu.memory_space<vmem_shared>>)
        tpu.yield
      }) : () -> ()
      %scan3A_98 = arith.constant 0 : i32
      scf.yield %scan3A_98 : i32
    }
    %scan3A_17 = arith.constant 40 : i32
    %barrier3A = arith.constant 0 : index
    tpu.barrier barrier_id(%barrier3A)
    %add3A_18 = arith.constant 0 : i32
    %add3A_19 = arith.addi %mul3A_4, %add3A_18 : i32
    %dma_start3A = arith.constant 0 : i32
    %dma_start3A_20 = tpu.memref_slice %arg3[%add3A_19, %dma_start3A] : memref<2536x128xi32, #tpu.memory_space<hbm>> -> memref<1x128xi32, #tpu.memory_space<hbm>>
    %dma_start3A_21 = tpu.memref_squeeze %dma_start3A_20 : memref<1x128xi32, #tpu.memory_space<hbm>> -> memref<128xi32, #tpu.memory_space<hbm>>
    %dma_start3A_22 = arith.constant 0 : i32
    %dma_start3A_23 = tpu.memref_slice %arg3[%add3A_19, %dma_start3A_22] : memref<2536x128xi32, #tpu.memory_space<hbm>> -> memref<1x128xi32, #tpu.memory_space<hbm>>
    %dma_start3A_24 = tpu.memref_squeeze %dma_start3A_23 : memref<1x128xi32, #tpu.memory_space<hbm>> -> memref<128xi32, #tpu.memory_space<hbm>>
    tpu.enqueue_dma source(%dma_start3A_24 : memref<128xi32, #tpu.memory_space<hbm>>) target(%arg6 : memref<128xi32, #tpu.memory_space<vmem>>) target_semaphore(%arg16 : memref<!tpu.dma_semaphore, #tpu.memory_space<semaphore_mem>>)
    %add3A_25 = arith.constant 0 : i32
    %add3A_26 = arith.addi %mul3A_4, %add3A_25 : i32
    %dma_start3A_27 = arith.constant 0 : i32
    %dma_start3A_28 = tpu.memref_slice %arg4[%add3A_26, %dma_start3A_27] : memref<2536x128xi32, #tpu.memory_space<hbm>> -> memref<1x128xi32, #tpu.memory_space<hbm>>
    %dma_start3A_29 = tpu.memref_squeeze %dma_start3A_28 : memref<1x128xi32, #tpu.memory_space<hbm>> -> memref<128xi32, #tpu.memory_space<hbm>>
    %dma_start3A_30 = arith.constant 0 : i32
    %dma_start3A_31 = tpu.memref_slice %arg4[%add3A_26, %dma_start3A_30] : memref<2536x128xi32, #tpu.memory_space<hbm>> -> memref<1x128xi32, #tpu.memory_space<hbm>>
    %dma_start3A_32 = tpu.memref_squeeze %dma_start3A_31 : memref<1x128xi32, #tpu.memory_space<hbm>> -> memref<128xi32, #tpu.memory_space<hbm>>
    tpu.enqueue_dma source(%dma_start3A_32 : memref<128xi32, #tpu.memory_space<hbm>>) target(%arg7 : memref<128xi32, #tpu.memory_space<vmem>>) target_semaphore(%arg16 : memref<!tpu.dma_semaphore, #tpu.memory_space<semaphore_mem>>)
    %dma_wait3A = arith.constant 0 : i32
    %dma_wait3A_33 = arith.constant 0 : i32
    %dma_wait3A_34 = tpu.memref_slice %arg3[%dma_wait3A, %dma_wait3A_33] : memref<2536x128xi32, #tpu.memory_space<hbm>> -> memref<1x128xi32, #tpu.memory_space<hbm>>
    %dma_wait3A_35 = tpu.memref_squeeze %dma_wait3A_34 : memref<1x128xi32, #tpu.memory_space<hbm>> -> memref<128xi32, #tpu.memory_space<hbm>>
    %dma_wait3A_36 = arith.constant 0 : i32
    %dma_wait3A_37 = tpu.memref_slice %arg3[%dma_wait3A, %dma_wait3A_36] : memref<2536x128xi32, #tpu.memory_space<hbm>> -> memref<1x128xi32, #tpu.memory_space<hbm>>
    %dma_wait3A_38 = tpu.memref_squeeze %dma_wait3A_37 : memref<1x128xi32, #tpu.memory_space<hbm>> -> memref<128xi32, #tpu.memory_space<hbm>>
    tpu.wait_dma2 semaphore(%arg16 : memref<!tpu.dma_semaphore, #tpu.memory_space<semaphore_mem>>) src(%dma_wait3A_38 : memref<128xi32, #tpu.memory_space<hbm>>) dst(%arg6 : memref<128xi32, #tpu.memory_space<vmem>>)
    %dma_wait3A_39 = arith.constant 0 : i32
    %dma_wait3A_40 = arith.constant 0 : i32
    %dma_wait3A_41 = tpu.memref_slice %arg4[%dma_wait3A_39, %dma_wait3A_40] : memref<2536x128xi32, #tpu.memory_space<hbm>> -> memref<1x128xi32, #tpu.memory_space<hbm>>
    %dma_wait3A_42 = tpu.memref_squeeze %dma_wait3A_41 : memref<1x128xi32, #tpu.memory_space<hbm>> -> memref<128xi32, #tpu.memory_space<hbm>>
    %dma_wait3A_43 = arith.constant 0 : i32
    %dma_wait3A_44 = tpu.memref_slice %arg4[%dma_wait3A_39, %dma_wait3A_43] : memref<2536x128xi32, #tpu.memory_space<hbm>> -> memref<1x128xi32, #tpu.memory_space<hbm>>
    %dma_wait3A_45 = tpu.memref_squeeze %dma_wait3A_44 : memref<1x128xi32, #tpu.memory_space<hbm>> -> memref<128xi32, #tpu.memory_space<hbm>>
    tpu.wait_dma2 semaphore(%arg16 : memref<!tpu.dma_semaphore, #tpu.memory_space<semaphore_mem>>) src(%dma_wait3A_45 : memref<128xi32, #tpu.memory_space<hbm>>) dst(%arg7 : memref<128xi32, #tpu.memory_space<vmem>>)
    %dma_start3A_46 = arith.constant 0 : i32
    %dma_start3A_47 = arith.constant 0 : i32
    %dma_start3A_48 = tpu.memref_slice %arg2[%dma_start3A_46, %dma_start3A_47] : memref<10240x128xf32, #tpu.memory_space<hbm>> -> memref<10240x128xf32, #tpu.memory_space<hbm>>
    tpu.enqueue_indirect_dma source(%dma_start3A_48 : memref<10240x128xf32, #tpu.memory_space<hbm>>) target(%arg10 : memref<128x128xf32, #tpu.memory_space<vmem>>) offsets(%arg6 : memref<128xi32, #tpu.memory_space<vmem>>) semaphore(%arg14 : memref<!tpu.dma_semaphore, #tpu.memory_space<semaphore_mem>>)
    %add3A_49 = arith.constant 1 : i32
    %add3A_50 = arith.addi %mul3A_4, %add3A_49 : i32
    %dma_start3A_51 = arith.constant 0 : i32
    %dma_start3A_52 = tpu.memref_slice %arg3[%add3A_50, %dma_start3A_51] : memref<2536x128xi32, #tpu.memory_space<hbm>> -> memref<1x128xi32, #tpu.memory_space<hbm>>
    %dma_start3A_53 = tpu.memref_squeeze %dma_start3A_52 : memref<1x128xi32, #tpu.memory_space<hbm>> -> memref<128xi32, #tpu.memory_space<hbm>>
    %dma_start3A_54 = arith.constant 0 : i32
    %dma_start3A_55 = tpu.memref_slice %arg3[%add3A_50, %dma_start3A_54] : memref<2536x128xi32, #tpu.memory_space<hbm>> -> memref<1x128xi32, #tpu.memory_space<hbm>>
    %dma_start3A_56 = tpu.memref_squeeze %dma_start3A_55 : memref<1x128xi32, #tpu.memory_space<hbm>> -> memref<128xi32, #tpu.memory_space<hbm>>
    tpu.enqueue_dma source(%dma_start3A_56 : memref<128xi32, #tpu.memory_space<hbm>>) target(%arg8 : memref<128xi32, #tpu.memory_space<vmem>>) target_semaphore(%arg17 : memref<!tpu.dma_semaphore, #tpu.memory_space<semaphore_mem>>)
    %add3A_57 = arith.constant 1 : i32
    %add3A_58 = arith.addi %mul3A_4, %add3A_57 : i32
    %dma_start3A_59 = arith.constant 0 : i32
    %dma_start3A_60 = tpu.memref_slice %arg4[%add3A_58, %dma_start3A_59] : memref<2536x128xi32, #tpu.memory_space<hbm>> -> memref<1x128xi32, #tpu.memory_space<hbm>>
    %dma_start3A_61 = tpu.memref_squeeze %dma_start3A_60 : memref<1x128xi32, #tpu.memory_space<hbm>> -> memref<128xi32, #tpu.memory_space<hbm>>
    %dma_start3A_62 = arith.constant 0 : i32
    %dma_start3A_63 = tpu.memref_slice %arg4[%add3A_58, %dma_start3A_62] : memref<2536x128xi32, #tpu.memory_space<hbm>> -> memref<1x128xi32, #tpu.memory_space<hbm>>
    %dma_start3A_64 = tpu.memref_squeeze %dma_start3A_63 : memref<1x128xi32, #tpu.memory_space<hbm>> -> memref<128xi32, #tpu.memory_space<hbm>>
    tpu.enqueue_dma source(%dma_start3A_64 : memref<128xi32, #tpu.memory_space<hbm>>) target(%arg9 : memref<128xi32, #tpu.memory_space<vmem>>) target_semaphore(%arg17 : memref<!tpu.dma_semaphore, #tpu.memory_space<semaphore_mem>>)
    %scan3A_65 = arith.constant 0 : i32
    %scan3A_66 = arith.constant 0 : i32
    %scan3A_67 = arith.constant 39 : i32
    %scan3A_68 = arith.addi %scan3A_66, %scan3A_67 : i32
    %scan3A_69 = arith.constant 1 : i32
    %scan3A_70 = scf.for %scan3A_93 = %scan3A_66 to %scan3A_68 step %scan3A_69 iter_args(%scan3A_94 = %scan3A_65) -> (i32)  : i32 {
      %mul3A_95 = arith.constant 2 : i32
      %mul3A_96 = arith.muli %mul3A_95, %scan3A_93 : i32
      %dma_wait3A_97 = arith.constant 0 : i32
      %dma_wait3A_98 = arith.constant 0 : i32
      %dma_wait3A_99 = tpu.memref_slice %arg3[%dma_wait3A_97, %dma_wait3A_98] : memref<2536x128xi32, #tpu.memory_space<hbm>> -> memref<1x128xi32, #tpu.memory_space<hbm>>
      %dma_wait3A_100 = tpu.memref_squeeze %dma_wait3A_99 : memref<1x128xi32, #tpu.memory_space<hbm>> -> memref<128xi32, #tpu.memory_space<hbm>>
      %dma_wait3A_101 = arith.constant 0 : i32
      %dma_wait3A_102 = tpu.memref_slice %arg3[%dma_wait3A_97, %dma_wait3A_101] : memref<2536x128xi32, #tpu.memory_space<hbm>> -> memref<1x128xi32, #tpu.memory_space<hbm>>
      %dma_wait3A_103 = tpu.memref_squeeze %dma_wait3A_102 : memref<1x128xi32, #tpu.memory_space<hbm>> -> memref<128xi32, #tpu.memory_space<hbm>>
      tpu.wait_dma2 semaphore(%arg17 : memref<!tpu.dma_semaphore, #tpu.memory_space<semaphore_mem>>) src(%dma_wait3A_103 : memref<128xi32, #tpu.memory_space<hbm>>) dst(%arg8 : memref<128xi32, #tpu.memory_space<vmem>>)
      %dma_wait3A_104 = arith.constant 0 : i32
      %dma_wait3A_105 = arith.constant 0 : i32
      %dma_wait3A_106 = tpu.memref_slice %arg4[%dma_wait3A_104, %dma_wait3A_105] : memref<2536x128xi32, #tpu.memory_space<hbm>> -> memref<1x128xi32, #tpu.memory_space<hbm>>
      %dma_wait3A_107 = tpu.memref_squeeze %dma_wait3A_106 : memref<1x128xi32, #tpu.memory_space<hbm>> -> memref<128xi32, #tpu.memory_space<hbm>>
      %dma_wait3A_108 = arith.constant 0 : i32
      %dma_wait3A_109 = tpu.memref_slice %arg4[%dma_wait3A_104, %dma_wait3A_108] : memref<2536x128xi32, #tpu.memory_space<hbm>> -> memref<1x128xi32, #tpu.memory_space<hbm>>
      %dma_wait3A_110 = tpu.memref_squeeze %dma_wait3A_109 : memref<1x128xi32, #tpu.memory_space<hbm>> -> memref<128xi32, #tpu.memory_space<hbm>>
      tpu.wait_dma2 semaphore(%arg17 : memref<!tpu.dma_semaphore, #tpu.memory_space<semaphore_mem>>) src(%dma_wait3A_110 : memref<128xi32, #tpu.memory_space<hbm>>) dst(%arg9 : memref<128xi32, #tpu.memory_space<vmem>>)
      %dma_start3A_111 = arith.constant 0 : i32
      %dma_start3A_112 = arith.constant 0 : i32
      %dma_start3A_113 = tpu.memref_slice %arg2[%dma_start3A_111, %dma_start3A_112] : memref<10240x128xf32, #tpu.memory_space<hbm>> -> memref<10240x128xf32, #tpu.memory_space<hbm>>
      tpu.enqueue_indirect_dma source(%dma_start3A_113 : memref<10240x128xf32, #tpu.memory_space<hbm>>) target(%arg11 : memref<128x128xf32, #tpu.memory_space<vmem>>) offsets(%arg8 : memref<128xi32, #tpu.memory_space<vmem>>) semaphore(%arg15 : memref<!tpu.dma_semaphore, #tpu.memory_space<semaphore_mem>>)
      %dma_wait3A_114 = arith.constant 0 : i32
      %dma_wait3A_115 = arith.constant 0 : i32
      %dma_wait3A_116 = tpu.memref_slice %arg2[%dma_wait3A_114, %dma_wait3A_115] : memref<10240x128xf32, #tpu.memory_space<hbm>> -> memref<10240x128xf32, #tpu.memory_space<hbm>>
      tpu.wait_indirect_dma semaphore(%arg14 : memref<!tpu.dma_semaphore, #tpu.memory_space<semaphore_mem>>) src(%dma_wait3A_116 : memref<10240x128xf32, #tpu.memory_space<hbm>>) dst(%arg10 : memref<128x128xf32, #tpu.memory_space<vmem>>)
      "tpu.region"() ({
        %run_scoped3A = tpu.sem_alloc : memref<!tpu.dma_semaphore, #tpu.memory_space<semaphore_mem>>
        %dma_start3A_170 = arith.constant 0 : i32
        %dma_start3A_171 = arith.constant 0 : i32
        %dma_start3A_172 = tpu.memref_slice %arg13[%dma_start3A_170, %dma_start3A_171] : memref<10240x128xf32, #tpu.memory_space<vmem_shared>> -> memref<10240x128xf32, #tpu.memory_space<vmem_shared>>
        tpu.enqueue_indirect_dma source(%arg10 : memref<128x128xf32, #tpu.memory_space<vmem>>) target(%dma_start3A_172 : memref<10240x128xf32, #tpu.memory_space<vmem_shared>>) offsets(%arg7 : memref<128xi32, #tpu.memory_space<vmem>>) semaphore(%run_scoped3A : memref<!tpu.dma_semaphore, #tpu.memory_space<semaphore_mem>>) {add = true}
        %dma_wait3A_173 = arith.constant 0 : i32
        %dma_wait3A_174 = arith.constant 0 : i32
        %dma_wait3A_175 = tpu.memref_slice %arg13[%dma_wait3A_173, %dma_wait3A_174] : memref<10240x128xf32, #tpu.memory_space<vmem_shared>> -> memref<10240x128xf32, #tpu.memory_space<vmem_shared>>
        tpu.wait_indirect_dma semaphore(%run_scoped3A : memref<!tpu.dma_semaphore, #tpu.memory_space<semaphore_mem>>) src(%arg10 : memref<128x128xf32, #tpu.memory_space<vmem>>) dst(%dma_wait3A_175 : memref<10240x128xf32, #tpu.memory_space<vmem_shared>>)
        tpu.yield
      }) : () -> ()
      %add3A_117 = arith.constant 2 : i32
      %add3A_118 = arith.addi %mul3A_96, %add3A_117 : i32
      %add3A_119 = arith.addi %mul3A_4, %add3A_118 : i32
      %dma_start3A_120 = arith.constant 0 : i32
      %dma_start3A_121 = tpu.memref_slice %arg3[%add3A_119, %dma_start3A_120] : memref<2536x128xi32, #tpu.memory_space<hbm>> -> memref<1x128xi32, #tpu.memory_space<hbm>>
      %dma_start3A_122 = tpu.memref_squeeze %dma_start3A_121 : memref<1x128xi32, #tpu.memory_space<hbm>> -> memref<128xi32, #tpu.memory_space<hbm>>
      %dma_start3A_123 = arith.constant 0 : i32
      %dma_start3A_124 = tpu.memref_slice %arg3[%add3A_119, %dma_start3A_123] : memref<2536x128xi32, #tpu.memory_space<hbm>> -> memref<1x128xi32, #tpu.memory_space<hbm>>
      %dma_start3A_125 = tpu.memref_squeeze %dma_start3A_124 : memref<1x128xi32, #tpu.memory_space<hbm>> -> memref<128xi32, #tpu.memory_space<hbm>>
      tpu.enqueue_dma source(%dma_start3A_125 : memref<128xi32, #tpu.memory_space<hbm>>) target(%arg6 : memref<128xi32, #tpu.memory_space<vmem>>) target_semaphore(%arg16 : memref<!tpu.dma_semaphore, #tpu.memory_space<semaphore_mem>>)
      %add3A_126 = arith.addi %mul3A_4, %add3A_118 : i32
      %dma_start3A_127 = arith.constant 0 : i32
      %dma_start3A_128 = tpu.memref_slice %arg4[%add3A_126, %dma_start3A_127] : memref<2536x128xi32, #tpu.memory_space<hbm>> -> memref<1x128xi32, #tpu.memory_space<hbm>>
      %dma_start3A_129 = tpu.memref_squeeze %dma_start3A_128 : memref<1x128xi32, #tpu.memory_space<hbm>> -> memref<128xi32, #tpu.memory_space<hbm>>
      %dma_start3A_130 = arith.constant 0 : i32
      %dma_start3A_131 = tpu.memref_slice %arg4[%add3A_126, %dma_start3A_130] : memref<2536x128xi32, #tpu.memory_space<hbm>> -> memref<1x128xi32, #tpu.memory_space<hbm>>
      %dma_start3A_132 = tpu.memref_squeeze %dma_start3A_131 : memref<1x128xi32, #tpu.memory_space<hbm>> -> memref<128xi32, #tpu.memory_space<hbm>>
      tpu.enqueue_dma source(%dma_start3A_132 : memref<128xi32, #tpu.memory_space<hbm>>) target(%arg7 : memref<128xi32, #tpu.memory_space<vmem>>) target_semaphore(%arg16 : memref<!tpu.dma_semaphore, #tpu.memory_space<semaphore_mem>>)
      %dma_wait3A_133 = arith.constant 0 : i32
      %dma_wait3A_134 = arith.constant 0 : i32
      %dma_wait3A_135 = tpu.memref_slice %arg3[%dma_wait3A_133, %dma_wait3A_134] : memref<2536x128xi32, #tpu.memory_space<hbm>> -> memref<1x128xi32, #tpu.memory_space<hbm>>
      %dma_wait3A_136 = tpu.memref_squeeze %dma_wait3A_135 : memref<1x128xi32, #tpu.memory_space<hbm>> -> memref<128xi32, #tpu.memory_space<hbm>>
      %dma_wait3A_137 = arith.constant 0 : i32
      %dma_wait3A_138 = tpu.memref_slice %arg3[%dma_wait3A_133, %dma_wait3A_137] : memref<2536x128xi32, #tpu.memory_space<hbm>> -> memref<1x128xi32, #tpu.memory_space<hbm>>
      %dma_wait3A_139 = tpu.memref_squeeze %dma_wait3A_138 : memref<1x128xi32, #tpu.memory_space<hbm>> -> memref<128xi32, #tpu.memory_space<hbm>>
      tpu.wait_dma2 semaphore(%arg16 : memref<!tpu.dma_semaphore, #tpu.memory_space<semaphore_mem>>) src(%dma_wait3A_139 : memref<128xi32, #tpu.memory_space<hbm>>) dst(%arg6 : memref<128xi32, #tpu.memory_space<vmem>>)
      %dma_wait3A_140 = arith.constant 0 : i32
      %dma_wait3A_141 = arith.constant 0 : i32
      %dma_wait3A_142 = tpu.memref_slice %arg4[%dma_wait3A_140, %dma_wait3A_141] : memref<2536x128xi32, #tpu.memory_space<hbm>> -> memref<1x128xi32, #tpu.memory_space<hbm>>
      %dma_wait3A_143 = tpu.memref_squeeze %dma_wait3A_142 : memref<1x128xi32, #tpu.memory_space<hbm>> -> memref<128xi32, #tpu.memory_space<hbm>>
      %dma_wait3A_144 = arith.constant 0 : i32
      %dma_wait3A_145 = tpu.memref_slice %arg4[%dma_wait3A_140, %dma_wait3A_144] : memref<2536x128xi32, #tpu.memory_space<hbm>> -> memref<1x128xi32, #tpu.memory_space<hbm>>
      %dma_wait3A_146 = tpu.memref_squeeze %dma_wait3A_145 : memref<1x128xi32, #tpu.memory_space<hbm>> -> memref<128xi32, #tpu.memory_space<hbm>>
      tpu.wait_dma2 semaphore(%arg16 : memref<!tpu.dma_semaphore, #tpu.memory_space<semaphore_mem>>) src(%dma_wait3A_146 : memref<128xi32, #tpu.memory_space<hbm>>) dst(%arg7 : memref<128xi32, #tpu.memory_space<vmem>>)
      %dma_start3A_147 = arith.constant 0 : i32
      %dma_start3A_148 = arith.constant 0 : i32
      %dma_start3A_149 = tpu.memref_slice %arg2[%dma_start3A_147, %dma_start3A_148] : memref<10240x128xf32, #tpu.memory_space<hbm>> -> memref<10240x128xf32, #tpu.memory_space<hbm>>
      tpu.enqueue_indirect_dma source(%dma_start3A_149 : memref<10240x128xf32, #tpu.memory_space<hbm>>) target(%arg10 : memref<128x128xf32, #tpu.memory_space<vmem>>) offsets(%arg6 : memref<128xi32, #tpu.memory_space<vmem>>) semaphore(%arg14 : memref<!tpu.dma_semaphore, #tpu.memory_space<semaphore_mem>>)
      %dma_wait3A_150 = arith.constant 0 : i32
      %dma_wait3A_151 = arith.constant 0 : i32
      %dma_wait3A_152 = tpu.memref_slice %arg2[%dma_wait3A_150, %dma_wait3A_151] : memref<10240x128xf32, #tpu.memory_space<hbm>> -> memref<10240x128xf32, #tpu.memory_space<hbm>>
      tpu.wait_indirect_dma semaphore(%arg15 : memref<!tpu.dma_semaphore, #tpu.memory_space<semaphore_mem>>) src(%dma_wait3A_152 : memref<10240x128xf32, #tpu.memory_space<hbm>>) dst(%arg11 : memref<128x128xf32, #tpu.memory_space<vmem>>)
      "tpu.region"() ({
        %run_scoped3A = tpu.sem_alloc : memref<!tpu.dma_semaphore, #tpu.memory_space<semaphore_mem>>
        %dma_start3A_170 = arith.constant 0 : i32
        %dma_start3A_171 = arith.constant 0 : i32
        %dma_start3A_172 = tpu.memref_slice %arg13[%dma_start3A_170, %dma_start3A_171] : memref<10240x128xf32, #tpu.memory_space<vmem_shared>> -> memref<10240x128xf32, #tpu.memory_space<vmem_shared>>
        tpu.enqueue_indirect_dma source(%arg11 : memref<128x128xf32, #tpu.memory_space<vmem>>) target(%dma_start3A_172 : memref<10240x128xf32, #tpu.memory_space<vmem_shared>>) offsets(%arg9 : memref<128xi32, #tpu.memory_space<vmem>>) semaphore(%run_scoped3A : memref<!tpu.dma_semaphore, #tpu.memory_space<semaphore_mem>>) {add = true}
        %dma_wait3A_173 = arith.constant 0 : i32
        %dma_wait3A_174 = arith.constant 0 : i32
        %dma_wait3A_175 = tpu.memref_slice %arg13[%dma_wait3A_173, %dma_wait3A_174] : memref<10240x128xf32, #tpu.memory_space<vmem_shared>> -> memref<10240x128xf32, #tpu.memory_space<vmem_shared>>
        tpu.wait_indirect_dma semaphore(%run_scoped3A : memref<!tpu.dma_semaphore, #tpu.memory_space<semaphore_mem>>) src(%arg11 : memref<128x128xf32, #tpu.memory_space<vmem>>) dst(%dma_wait3A_175 : memref<10240x128xf32, #tpu.memory_space<vmem_shared>>)
        tpu.yield
      }) : () -> ()
      %add3A_153 = arith.constant 3 : i32
      %add3A_154 = arith.addi %mul3A_96, %add3A_153 : i32
      %add3A_155 = arith.addi %mul3A_4, %add3A_154 : i32
      %dma_start3A_156 = arith.constant 0 : i32
      %dma_start3A_157 = tpu.memref_slice %arg3[%add3A_155, %dma_start3A_156] : memref<2536x128xi32, #tpu.memory_space<hbm>> -> memref<1x128xi32, #tpu.memory_space<hbm>>
      %dma_start3A_158 = tpu.memref_squeeze %dma_start3A_157 : memref<1x128xi32, #tpu.memory_space<hbm>> -> memref<128xi32, #tpu.memory_space<hbm>>
      %dma_start3A_159 = arith.constant 0 : i32
      %dma_start3A_160 = tpu.memref_slice %arg3[%add3A_155, %dma_start3A_159] : memref<2536x128xi32, #tpu.memory_space<hbm>> -> memref<1x128xi32, #tpu.memory_space<hbm>>
      %dma_start3A_161 = tpu.memref_squeeze %dma_start3A_160 : memref<1x128xi32, #tpu.memory_space<hbm>> -> memref<128xi32, #tpu.memory_space<hbm>>
      tpu.enqueue_dma source(%dma_start3A_161 : memref<128xi32, #tpu.memory_space<hbm>>) target(%arg8 : memref<128xi32, #tpu.memory_space<vmem>>) target_semaphore(%arg17 : memref<!tpu.dma_semaphore, #tpu.memory_space<semaphore_mem>>)
      %add3A_162 = arith.addi %mul3A_4, %add3A_154 : i32
      %dma_start3A_163 = arith.constant 0 : i32
      %dma_start3A_164 = tpu.memref_slice %arg4[%add3A_162, %dma_start3A_163] : memref<2536x128xi32, #tpu.memory_space<hbm>> -> memref<1x128xi32, #tpu.memory_space<hbm>>
      %dma_start3A_165 = tpu.memref_squeeze %dma_start3A_164 : memref<1x128xi32, #tpu.memory_space<hbm>> -> memref<128xi32, #tpu.memory_space<hbm>>
      %dma_start3A_166 = arith.constant 0 : i32
      %dma_start3A_167 = tpu.memref_slice %arg4[%add3A_162, %dma_start3A_166] : memref<2536x128xi32, #tpu.memory_space<hbm>> -> memref<1x128xi32, #tpu.memory_space<hbm>>
      %dma_start3A_168 = tpu.memref_squeeze %dma_start3A_167 : memref<1x128xi32, #tpu.memory_space<hbm>> -> memref<128xi32, #tpu.memory_space<hbm>>
      tpu.enqueue_dma source(%dma_start3A_168 : memref<128xi32, #tpu.memory_space<hbm>>) target(%arg9 : memref<128xi32, #tpu.memory_space<vmem>>) target_semaphore(%arg17 : memref<!tpu.dma_semaphore, #tpu.memory_space<semaphore_mem>>)
      %scan3A_169 = arith.constant 0 : i32
      scf.yield %scan3A_169 : i32
    }
    %scan3A_71 = arith.constant 39 : i32
    %dma_wait3A_72 = arith.constant 0 : i32
    %dma_wait3A_73 = arith.constant 0 : i32
    %dma_wait3A_74 = tpu.memref_slice %arg2[%dma_wait3A_72, %dma_wait3A_73] : memref<10240x128xf32, #tpu.memory_space<hbm>> -> memref<10240x128xf32, #tpu.memory_space<hbm>>
    tpu.wait_indirect_dma semaphore(%arg14 : memref<!tpu.dma_semaphore, #tpu.memory_space<semaphore_mem>>) src(%dma_wait3A_74 : memref<10240x128xf32, #tpu.memory_space<hbm>>) dst(%arg10 : memref<128x128xf32, #tpu.memory_space<vmem>>)
    "tpu.region"() ({
      %run_scoped3A = tpu.sem_alloc : memref<!tpu.dma_semaphore, #tpu.memory_space<semaphore_mem>>
      %dma_start3A_93 = arith.constant 0 : i32
      %dma_start3A_94 = arith.constant 0 : i32
      %dma_start3A_95 = tpu.memref_slice %arg13[%dma_start3A_93, %dma_start3A_94] : memref<10240x128xf32, #tpu.memory_space<vmem_shared>> -> memref<10240x128xf32, #tpu.memory_space<vmem_shared>>
      tpu.enqueue_indirect_dma source(%arg10 : memref<128x128xf32, #tpu.memory_space<vmem>>) target(%dma_start3A_95 : memref<10240x128xf32, #tpu.memory_space<vmem_shared>>) offsets(%arg7 : memref<128xi32, #tpu.memory_space<vmem>>) semaphore(%run_scoped3A : memref<!tpu.dma_semaphore, #tpu.memory_space<semaphore_mem>>) {add = true}
      %dma_wait3A_96 = arith.constant 0 : i32
      %dma_wait3A_97 = arith.constant 0 : i32
      %dma_wait3A_98 = tpu.memref_slice %arg13[%dma_wait3A_96, %dma_wait3A_97] : memref<10240x128xf32, #tpu.memory_space<vmem_shared>> -> memref<10240x128xf32, #tpu.memory_space<vmem_shared>>
      tpu.wait_indirect_dma semaphore(%run_scoped3A : memref<!tpu.dma_semaphore, #tpu.memory_space<semaphore_mem>>) src(%arg10 : memref<128x128xf32, #tpu.memory_space<vmem>>) dst(%dma_wait3A_98 : memref<10240x128xf32, #tpu.memory_space<vmem_shared>>)
      tpu.yield
    }) : () -> ()
    %dma_wait3A_75 = arith.constant 0 : i32
    %dma_wait3A_76 = arith.constant 0 : i32
    %dma_wait3A_77 = tpu.memref_slice %arg3[%dma_wait3A_75, %dma_wait3A_76] : memref<2536x128xi32, #tpu.memory_space<hbm>> -> memref<1x128xi32, #tpu.memory_space<hbm>>
    %dma_wait3A_78 = tpu.memref_squeeze %dma_wait3A_77 : memref<1x128xi32, #tpu.memory_space<hbm>> -> memref<128xi32, #tpu.memory_space<hbm>>
    %dma_wait3A_79 = arith.constant 0 : i32
    %dma_wait3A_80 = tpu.memref_slice %arg3[%dma_wait3A_75, %dma_wait3A_79] : memref<2536x128xi32, #tpu.memory_space<hbm>> -> memref<1x128xi32, #tpu.memory_space<hbm>>
    %dma_wait3A_81 = tpu.memref_squeeze %dma_wait3A_80 : memref<1x128xi32, #tpu.memory_space<hbm>> -> memref<128xi32, #tpu.memory_space<hbm>>
    tpu.wait_dma2 semaphore(%arg17 : memref<!tpu.dma_semaphore, #tpu.memory_space<semaphore_mem>>) src(%dma_wait3A_81 : memref<128xi32, #tpu.memory_space<hbm>>) dst(%arg8 : memref<128xi32, #tpu.memory_space<vmem>>)
    %dma_wait3A_82 = arith.constant 0 : i32
    %dma_wait3A_83 = arith.constant 0 : i32
    %dma_wait3A_84 = tpu.memref_slice %arg4[%dma_wait3A_82, %dma_wait3A_83] : memref<2536x128xi32, #tpu.memory_space<hbm>> -> memref<1x128xi32, #tpu.memory_space<hbm>>
    %dma_wait3A_85 = tpu.memref_squeeze %dma_wait3A_84 : memref<1x128xi32, #tpu.memory_space<hbm>> -> memref<128xi32, #tpu.memory_space<hbm>>
    %dma_wait3A_86 = arith.constant 0 : i32
    %dma_wait3A_87 = tpu.memref_slice %arg4[%dma_wait3A_82, %dma_wait3A_86] : memref<2536x128xi32, #tpu.memory_space<hbm>> -> memref<1x128xi32, #tpu.memory_space<hbm>>
    %dma_wait3A_88 = tpu.memref_squeeze %dma_wait3A_87 : memref<1x128xi32, #tpu.memory_space<hbm>> -> memref<128xi32, #tpu.memory_space<hbm>>
    tpu.wait_dma2 semaphore(%arg17 : memref<!tpu.dma_semaphore, #tpu.memory_space<semaphore_mem>>) src(%dma_wait3A_88 : memref<128xi32, #tpu.memory_space<hbm>>) dst(%arg9 : memref<128xi32, #tpu.memory_space<vmem>>)
    %barrier3A_89 = arith.constant 0 : index
    tpu.barrier barrier_id(%barrier3A_89)
    %mul3A_90 = arith.constant 10240 : i32
    %mul3A_91 = arith.muli %arg0, %mul3A_90 : i32
    %add3A_92 = arith.addi %mul3A_91, %mul3A_2 : i32
    "tpu.region"() ({
      %run_scoped3A = tpu.sem_alloc : memref<!tpu.dma_semaphore, #tpu.memory_space<semaphore_mem>>
      %dma_start3A_93 = arith.constant 0 : i32
      %dma_start3A_94 = tpu.memref_slice %arg5[%add3A_92, %dma_start3A_93] : memref<20480x128xf32, #tpu.memory_space<hbm>> -> memref<640x128xf32, #tpu.memory_space<hbm>>
      %dma_start3A_95 = arith.constant 0 : i32
      %dma_start3A_96 = tpu.memref_slice %arg13[%mul3A_2, %dma_start3A_95] : memref<10240x128xf32, #tpu.memory_space<vmem_shared>> -> memref<640x128xf32, #tpu.memory_space<vmem_shared>>
      tpu.enqueue_dma source(%dma_start3A_96 : memref<640x128xf32, #tpu.memory_space<vmem_shared>>) target(%dma_start3A_94 : memref<640x128xf32, #tpu.memory_space<hbm>>) target_semaphore(%run_scoped3A : memref<!tpu.dma_semaphore, #tpu.memory_space<semaphore_mem>>)
      %dma_wait3A_97 = arith.constant 0 : i32
      %dma_wait3A_98 = tpu.memref_slice %arg5[%add3A_92, %dma_wait3A_97] : memref<20480x128xf32, #tpu.memory_space<hbm>> -> memref<640x128xf32, #tpu.memory_space<hbm>>
      %dma_wait3A_99 = arith.constant 0 : i32
      %dma_wait3A_100 = tpu.memref_slice %arg13[%mul3A_2, %dma_wait3A_99] : memref<10240x128xf32, #tpu.memory_space<vmem_shared>> -> memref<640x128xf32, #tpu.memory_space<vmem_shared>>
      tpu.wait_dma2 semaphore(%run_scoped3A : memref<!tpu.dma_semaphore, #tpu.memory_space<semaphore_mem>>) src(%dma_wait3A_100 : memref<640x128xf32, #tpu.memory_space<vmem_shared>>) dst(%dma_wait3A_98 : memref<640x128xf32, #tpu.memory_space<hbm>>)
      tpu.yield
    }) : () -> ()
    return
  }
}

#map = affine_map<(d0, d1) -> (0, 0)>
module attributes {stable_mosaic.version = 14 : i64} {
  func.func @_sc_count_body(%arg0: i32, %arg1: i32, %arg2: memref<2560x128xi32, #tpu.memory_space<hbm>>, %arg3: memref<20480x128xf32, #tpu.memory_space<hbm>>, %arg4: memref<80x128xi32, #tpu.memory_space<vmem>>, %arg5: memref<128x128xf32, #tpu.memory_space<vmem>>, %arg6: memref<16x128xf32, #tpu.memory_space<vmem>>, %arg7: memref<10240x128xf32, #tpu.memory_space<vmem_shared>>, %arg8: memref<!tpu.dma_semaphore, #tpu.memory_space<semaphore_mem>>) attributes {dimension_semantics = [#tpu.dimension_semantics<core_parallel>, #tpu.dimension_semantics<subcore_parallel>], iteration_bounds = array<i64: 2, 16>, scalar_prefetch = 0 : i64, scratch_operands = 5 : i64, tpu.core_type = #tpu.core_type<sc_vector_subcore>, window_params = [{transform_indices = #map}, {transform_indices = #map}]} {
    %mul3A = arith.constant 16 : i32
    %mul3A_0 = arith.muli %arg0, %mul3A : i32
    %add3A = arith.addi %mul3A_0, %arg1 : i32
    %mul3A_1 = arith.constant 640 : i32
    %mul3A_2 = arith.muli %arg1, %mul3A_1 : i32
    %scan3A = arith.constant 0 : i32
    %scan3A_3 = arith.constant 0 : i32
    %scan3A_4 = arith.constant 128 : i32
    %scan3A_5 = arith.addi %scan3A_3, %scan3A_4 : i32
    %scan3A_6 = arith.constant 1 : i32
    %scan3A_7 = scf.for %scan3A_36 = %scan3A_3 to %scan3A_5 step %scan3A_6 iter_args(%scan3A_37 = %scan3A) -> (i32)  : i32 {
      %jit3A = arith.constant 8 : i32
      %div3A = arith.divsi %scan3A_36, %jit3A : i32
      %sign3A = arith.constant 0 : i32
      %sign3A_38 = arith.cmpi sgt, %scan3A_36, %sign3A : i32
      %sign3A_39 = arith.extui %sign3A_38 : i1 to i32
      %sign3A_40 = arith.constant 0 : i32
      %sign3A_41 = arith.cmpi slt, %scan3A_36, %sign3A_40 : i32
      %sign3A_42 = arith.extui %sign3A_41 : i1 to i32
      %sign3A_43 = arith.subi %sign3A_39, %sign3A_42 : i32
      %sign3A_44 = arith.constant 0 : i32
      %sign3A_45 = arith.cmpi sgt, %jit3A, %sign3A_44 : i32
      %sign3A_46 = arith.extui %sign3A_45 : i1 to i32
      %sign3A_47 = arith.constant 0 : i32
      %sign3A_48 = arith.cmpi slt, %jit3A, %sign3A_47 : i32
      %sign3A_49 = arith.extui %sign3A_48 : i1 to i32
      %sign3A_50 = arith.subi %sign3A_46, %sign3A_49 : i32
      %ne3A = arith.cmpi ne, %sign3A_43, %sign3A_50 : i32
      %rem3A = arith.remsi %scan3A_36, %jit3A : i32
      %ne3A_51 = arith.constant 0 : i32
      %ne3A_52 = arith.cmpi ne, %rem3A, %ne3A_51 : i32
      %and3A = arith.andi %ne3A, %ne3A_52 : i1
      %sub3A = arith.constant 1 : i32
      %sub3A_53 = arith.subi %div3A, %sub3A : i32
      %select_n3A = arith.select %and3A, %sub3A_53, %div3A : i32
      %jit3A_54 = arith.constant 8 : i32
      %eq3A = arith.constant 0 : i32
      %eq3A_55 = arith.cmpi eq, %jit3A_54, %eq3A : i32
      %jit3A_56 = arith.constant 1 : i32
      %select_n3A_57 = arith.select %eq3A_55, %jit3A_56, %jit3A_54 : i32
      %rem3A_58 = arith.remsi %scan3A_36, %select_n3A_57 : i32
      %ne3A_59 = arith.constant 0 : i32
      %ne3A_60 = arith.cmpi ne, %rem3A_58, %ne3A_59 : i32
      %lt3A = arith.constant 0 : i32
      %lt3A_61 = arith.cmpi slt, %rem3A_58, %lt3A : i32
      %lt3A_62 = arith.constant 0 : i32
      %lt3A_63 = arith.cmpi slt, %select_n3A_57, %lt3A_62 : i32
      %ne3A_64 = arith.xori %lt3A_61, %lt3A_63 : i1
      %and3A_65 = arith.andi %ne3A_64, %ne3A_60 : i1
      %add3A_66 = arith.addi %rem3A_58, %select_n3A_57 : i32
      %select_n3A_67 = arith.select %and3A_65, %add3A_66, %rem3A_58 : i32
      %broadcast_in_dim3A = arith.constant 0.000000e+00 : f32
      %broadcast_in_dim3A_68 = vector.broadcast %broadcast_in_dim3A : f32 to vector<16xf32>
      %mul3A_69 = arith.constant 16 : i32
      %mul3A_70 = arith.muli %select_n3A_67, %mul3A_69 : i32
      %swap3A = arith.index_cast %select_n3A : i32 to index
      %swap3A_71 = arith.index_cast %mul3A_70 : i32 to index
      %swap3A_72 = tpu.vector_load %arg6[%swap3A, %swap3A_71] {strides = array<i32>} : memref<16x128xf32, #tpu.memory_space<vmem>>, vector<1x16xf32>,
      %swap3A_73 = vector.shape_cast %swap3A_72 : vector<1x16xf32> to vector<16xf32>
      %swap3A_74 = vector.shape_cast %broadcast_in_dim3A_68 : vector<16xf32> to vector<1x16xf32>
      tpu.vector_store %arg6[%swap3A, %swap3A_71], %swap3A_74 {strides = array<i32>} : memref<16x128xf32, #tpu.memory_space<vmem>>, vector<1x16xf32>,
      %scan3A_75 = arith.constant 0 : i32
      scf.yield %scan3A_75 : i32
    }
    %scan3A_8 = arith.constant 128 : i32
    %scan3A_9 = arith.constant 0 : i32
    %scan3A_10 = arith.constant 0 : i32
    %scan3A_11 = arith.constant 40 : i32
    %scan3A_12 = arith.addi %scan3A_10, %scan3A_11 : i32
    %scan3A_13 = arith.constant 1 : i32
    %scan3A_14 = scf.for %scan3A_36 = %scan3A_10 to %scan3A_12 step %scan3A_13 iter_args(%scan3A_37 = %scan3A_9) -> (i32)  : i32 {
      %mul3A_38 = arith.constant 16 : i32
      %mul3A_39 = arith.muli %scan3A_36, %mul3A_38 : i32
      %add3A_40 = arith.addi %mul3A_2, %mul3A_39 : i32
      "tpu.region"() ({
        %run_scoped3A = tpu.sem_alloc : memref<!tpu.dma_semaphore, #tpu.memory_space<semaphore_mem>>
        %dma_start3A = arith.constant 0 : i32
        %dma_start3A_42 = tpu.memref_slice %arg7[%add3A_40, %dma_start3A] : memref<10240x128xf32, #tpu.memory_space<vmem_shared>> -> memref<16x128xf32, #tpu.memory_space<vmem_shared>>
        %dma_start3A_43 = arith.constant 0 : i32
        %dma_start3A_44 = tpu.memref_slice %arg7[%add3A_40, %dma_start3A_43] : memref<10240x128xf32, #tpu.memory_space<vmem_shared>> -> memref<16x128xf32, #tpu.memory_space<vmem_shared>>
        tpu.enqueue_dma source(%arg6 : memref<16x128xf32, #tpu.memory_space<vmem>>) target(%dma_start3A_44 : memref<16x128xf32, #tpu.memory_space<vmem_shared>>) target_semaphore(%run_scoped3A : memref<!tpu.dma_semaphore, #tpu.memory_space<semaphore_mem>>)
        %dma_wait3A = arith.constant 0 : i32
        %dma_wait3A_45 = tpu.memref_slice %arg7[%add3A_40, %dma_wait3A] : memref<10240x128xf32, #tpu.memory_space<vmem_shared>> -> memref<16x128xf32, #tpu.memory_space<vmem_shared>>
        %dma_wait3A_46 = arith.constant 0 : i32
        %dma_wait3A_47 = tpu.memref_slice %arg7[%add3A_40, %dma_wait3A_46] : memref<10240x128xf32, #tpu.memory_space<vmem_shared>> -> memref<16x128xf32, #tpu.memory_space<vmem_shared>>
        tpu.wait_dma2 semaphore(%run_scoped3A : memref<!tpu.dma_semaphore, #tpu.memory_space<semaphore_mem>>) src(%arg6 : memref<16x128xf32, #tpu.memory_space<vmem>>) dst(%dma_wait3A_47 : memref<16x128xf32, #tpu.memory_space<vmem_shared>>)
        tpu.yield
      }) : () -> ()
      %scan3A_41 = arith.constant 0 : i32
      scf.yield %scan3A_41 : i32
    }
    %scan3A_15 = arith.constant 40 : i32
    %scan3A_16 = arith.constant 0 : i32
    %scan3A_17 = arith.constant 0 : i32
    %scan3A_18 = arith.constant 1024 : i32
    %scan3A_19 = arith.addi %scan3A_17, %scan3A_18 : i32
    %scan3A_20 = arith.constant 1 : i32
    %scan3A_21 = scf.for %scan3A_36 = %scan3A_17 to %scan3A_19 step %scan3A_20 iter_args(%scan3A_37 = %scan3A_16) -> (i32)  : i32 {
      %jit3A = arith.constant 8 : i32
      %div3A = arith.divsi %scan3A_36, %jit3A : i32
      %sign3A = arith.constant 0 : i32
      %sign3A_38 = arith.cmpi sgt, %scan3A_36, %sign3A : i32
      %sign3A_39 = arith.extui %sign3A_38 : i1 to i32
      %sign3A_40 = arith.constant 0 : i32
      %sign3A_41 = arith.cmpi slt, %scan3A_36, %sign3A_40 : i32
      %sign3A_42 = arith.extui %sign3A_41 : i1 to i32
      %sign3A_43 = arith.subi %sign3A_39, %sign3A_42 : i32
      %sign3A_44 = arith.constant 0 : i32
      %sign3A_45 = arith.cmpi sgt, %jit3A, %sign3A_44 : i32
      %sign3A_46 = arith.extui %sign3A_45 : i1 to i32
      %sign3A_47 = arith.constant 0 : i32
      %sign3A_48 = arith.cmpi slt, %jit3A, %sign3A_47 : i32
      %sign3A_49 = arith.extui %sign3A_48 : i1 to i32
      %sign3A_50 = arith.subi %sign3A_46, %sign3A_49 : i32
      %ne3A = arith.cmpi ne, %sign3A_43, %sign3A_50 : i32
      %rem3A = arith.remsi %scan3A_36, %jit3A : i32
      %ne3A_51 = arith.constant 0 : i32
      %ne3A_52 = arith.cmpi ne, %rem3A, %ne3A_51 : i32
      %and3A = arith.andi %ne3A, %ne3A_52 : i1
      %sub3A = arith.constant 1 : i32
      %sub3A_53 = arith.subi %div3A, %sub3A : i32
      %select_n3A = arith.select %and3A, %sub3A_53, %div3A : i32
      %jit3A_54 = arith.constant 8 : i32
      %eq3A = arith.constant 0 : i32
      %eq3A_55 = arith.cmpi eq, %jit3A_54, %eq3A : i32
      %jit3A_56 = arith.constant 1 : i32
      %select_n3A_57 = arith.select %eq3A_55, %jit3A_56, %jit3A_54 : i32
      %rem3A_58 = arith.remsi %scan3A_36, %select_n3A_57 : i32
      %ne3A_59 = arith.constant 0 : i32
      %ne3A_60 = arith.cmpi ne, %rem3A_58, %ne3A_59 : i32
      %lt3A = arith.constant 0 : i32
      %lt3A_61 = arith.cmpi slt, %rem3A_58, %lt3A : i32
      %lt3A_62 = arith.constant 0 : i32
      %lt3A_63 = arith.cmpi slt, %select_n3A_57, %lt3A_62 : i32
      %ne3A_64 = arith.xori %lt3A_61, %lt3A_63 : i1
      %and3A_65 = arith.andi %ne3A_64, %ne3A_60 : i1
      %add3A_66 = arith.addi %rem3A_58, %select_n3A_57 : i32
      %select_n3A_67 = arith.select %and3A_65, %add3A_66, %rem3A_58 : i32
      %broadcast_in_dim3A = arith.constant 1.000000e+00 : f32
      %broadcast_in_dim3A_68 = vector.broadcast %broadcast_in_dim3A : f32 to vector<16xf32>
      %mul3A_69 = arith.constant 16 : i32
      %mul3A_70 = arith.muli %select_n3A_67, %mul3A_69 : i32
      %swap3A = arith.index_cast %select_n3A : i32 to index
      %swap3A_71 = arith.index_cast %mul3A_70 : i32 to index
      %swap3A_72 = tpu.vector_load %arg5[%swap3A, %swap3A_71] {strides = array<i32>} : memref<128x128xf32, #tpu.memory_space<vmem>>, vector<1x16xf32>,
      %swap3A_73 = vector.shape_cast %swap3A_72 : vector<1x16xf32> to vector<16xf32>
      %swap3A_74 = vector.shape_cast %broadcast_in_dim3A_68 : vector<16xf32> to vector<1x16xf32>
      tpu.vector_store %arg5[%swap3A, %swap3A_71], %swap3A_74 {strides = array<i32>} : memref<128x128xf32, #tpu.memory_space<vmem>>, vector<1x16xf32>,
      %scan3A_75 = arith.constant 0 : i32
      scf.yield %scan3A_75 : i32
    }
    %scan3A_22 = arith.constant 1024 : i32
    %mul3A_23 = arith.constant 80 : i32
    %mul3A_24 = arith.muli %add3A, %mul3A_23 : i32
    "tpu.region"() ({
      %run_scoped3A = tpu.sem_alloc : memref<!tpu.dma_semaphore, #tpu.memory_space<semaphore_mem>>
      %dma_start3A = arith.constant 0 : i32
      %dma_start3A_36 = tpu.memref_slice %arg2[%mul3A_24, %dma_start3A] : memref<2560x128xi32, #tpu.memory_space<hbm>> -> memref<80x128xi32, #tpu.memory_space<hbm>>
      %dma_start3A_37 = arith.constant 0 : i32
      %dma_start3A_38 = tpu.memref_slice %arg2[%mul3A_24, %dma_start3A_37] : memref<2560x128xi32, #tpu.memory_space<hbm>> -> memref<80x128xi32, #tpu.memory_space<hbm>>
      tpu.enqueue_dma source(%dma_start3A_38 : memref<80x128xi32, #tpu.memory_space<hbm>>) target(%arg4 : memref<80x128xi32, #tpu.memory_space<vmem>>) target_semaphore(%run_scoped3A : memref<!tpu.dma_semaphore, #tpu.memory_space<semaphore_mem>>)
      %dma_wait3A = arith.constant 0 : i32
      %dma_wait3A_39 = tpu.memref_slice %arg2[%mul3A_24, %dma_wait3A] : memref<2560x128xi32, #tpu.memory_space<hbm>> -> memref<80x128xi32, #tpu.memory_space<hbm>>
      %dma_wait3A_40 = arith.constant 0 : i32
      %dma_wait3A_41 = tpu.memref_slice %arg2[%mul3A_24, %dma_wait3A_40] : memref<2560x128xi32, #tpu.memory_space<hbm>> -> memref<80x128xi32, #tpu.memory_space<hbm>>
      tpu.wait_dma2 semaphore(%run_scoped3A : memref<!tpu.dma_semaphore, #tpu.memory_space<semaphore_mem>>) src(%dma_wait3A_41 : memref<80x128xi32, #tpu.memory_space<hbm>>) dst(%arg4 : memref<80x128xi32, #tpu.memory_space<vmem>>)
      tpu.yield
    }) : () -> ()
    %barrier3A = arith.constant 0 : index
    tpu.barrier barrier_id(%barrier3A)
    %scan3A_25 = arith.constant 0 : i32
    %scan3A_26 = arith.constant 0 : i32
    %scan3A_27 = arith.constant 80 : i32
    %scan3A_28 = arith.addi %scan3A_26, %scan3A_27 : i32
    %scan3A_29 = arith.constant 1 : i32
    %scan3A_30 = scf.for %scan3A_36 = %scan3A_26 to %scan3A_28 step %scan3A_29 iter_args(%scan3A_37 = %scan3A_25) -> (i32)  : i32 {
      "tpu.region"() ({
        %run_scoped3A = tpu.sem_alloc : memref<!tpu.dma_semaphore, #tpu.memory_space<semaphore_mem>>
        %dma_start3A = arith.constant 0 : i32
        %dma_start3A_39 = tpu.memref_slice %arg4[%scan3A_36, %dma_start3A] : memref<80x128xi32, #tpu.memory_space<vmem>> -> memref<1x128xi32, #tpu.memory_space<vmem>>
        %dma_start3A_40 = tpu.memref_squeeze %dma_start3A_39 : memref<1x128xi32, #tpu.memory_space<vmem>> -> memref<128xi32, #tpu.memory_space<vmem>>
        %dma_start3A_41 = arith.constant 0 : i32
        %dma_start3A_42 = arith.constant 0 : i32
        %dma_start3A_43 = tpu.memref_slice %arg7[%dma_start3A_41, %dma_start3A_42] : memref<10240x128xf32, #tpu.memory_space<vmem_shared>> -> memref<10240x128xf32, #tpu.memory_space<vmem_shared>>
        tpu.enqueue_indirect_dma source(%arg5 : memref<128x128xf32, #tpu.memory_space<vmem>>) target(%dma_start3A_43 : memref<10240x128xf32, #tpu.memory_space<vmem_shared>>) offsets(%dma_start3A_40 : memref<128xi32, #tpu.memory_space<vmem>>) semaphore(%run_scoped3A : memref<!tpu.dma_semaphore, #tpu.memory_space<semaphore_mem>>) {add = true}
        %dma_wait3A = arith.constant 0 : i32
        %dma_wait3A_44 = tpu.memref_slice %arg4[%scan3A_36, %dma_wait3A] : memref<80x128xi32, #tpu.memory_space<vmem>> -> memref<1x128xi32, #tpu.memory_space<vmem>>
        %dma_wait3A_45 = tpu.memref_squeeze %dma_wait3A_44 : memref<1x128xi32, #tpu.memory_space<vmem>> -> memref<128xi32, #tpu.memory_space<vmem>>
        %dma_wait3A_46 = arith.constant 0 : i32
        %dma_wait3A_47 = arith.constant 0 : i32
        %dma_wait3A_48 = tpu.memref_slice %arg7[%dma_wait3A_46, %dma_wait3A_47] : memref<10240x128xf32, #tpu.memory_space<vmem_shared>> -> memref<10240x128xf32, #tpu.memory_space<vmem_shared>>
        tpu.wait_indirect_dma semaphore(%run_scoped3A : memref<!tpu.dma_semaphore, #tpu.memory_space<semaphore_mem>>) src(%arg5 : memref<128x128xf32, #tpu.memory_space<vmem>>) dst(%dma_wait3A_48 : memref<10240x128xf32, #tpu.memory_space<vmem_shared>>)
        tpu.yield
      }) : () -> ()
      %scan3A_38 = arith.constant 0 : i32
      scf.yield %scan3A_38 : i32
    }
    %scan3A_31 = arith.constant 80 : i32
    %barrier3A_32 = arith.constant 0 : index
    tpu.barrier barrier_id(%barrier3A_32)
    %mul3A_33 = arith.constant 10240 : i32
    %mul3A_34 = arith.muli %arg0, %mul3A_33 : i32
    %add3A_35 = arith.addi %mul3A_34, %mul3A_2 : i32
    "tpu.region"() ({
      %run_scoped3A = tpu.sem_alloc : memref<!tpu.dma_semaphore, #tpu.memory_space<semaphore_mem>>
      %dma_start3A = arith.constant 0 : i32
      %dma_start3A_36 = tpu.memref_slice %arg3[%add3A_35, %dma_start3A] : memref<20480x128xf32, #tpu.memory_space<hbm>> -> memref<640x128xf32, #tpu.memory_space<hbm>>
      %dma_start3A_37 = arith.constant 0 : i32
      %dma_start3A_38 = tpu.memref_slice %arg7[%mul3A_2, %dma_start3A_37] : memref<10240x128xf32, #tpu.memory_space<vmem_shared>> -> memref<640x128xf32, #tpu.memory_space<vmem_shared>>
      tpu.enqueue_dma source(%dma_start3A_38 : memref<640x128xf32, #tpu.memory_space<vmem_shared>>) target(%dma_start3A_36 : memref<640x128xf32, #tpu.memory_space<hbm>>) target_semaphore(%run_scoped3A : memref<!tpu.dma_semaphore, #tpu.memory_space<semaphore_mem>>)
      %dma_wait3A = arith.constant 0 : i32
      %dma_wait3A_39 = tpu.memref_slice %arg3[%add3A_35, %dma_wait3A] : memref<20480x128xf32, #tpu.memory_space<hbm>> -> memref<640x128xf32, #tpu.memory_space<hbm>>
      %dma_wait3A_40 = arith.constant 0 : i32
      %dma_wait3A_41 = tpu.memref_slice %arg7[%mul3A_2, %dma_wait3A_40] : memref<10240x128xf32, #tpu.memory_space<vmem_shared>> -> memref<640x128xf32, #tpu.memory_space<vmem_shared>>
      tpu.wait_dma2 semaphore(%run_scoped3A : memref<!tpu.dma_semaphore, #tpu.memory_space<semaphore_mem>>) src(%dma_wait3A_41 : memref<640x128xf32, #tpu.memory_space<vmem_shared>>) dst(%dma_wait3A_39 : memref<640x128xf32, #tpu.memory_space<hbm>>)
      tpu.yield
    }) : () -> ()
    return
  }
}

#map = affine_map<(d0, d1) -> (0, 0)>
module attributes {stable_mosaic.version = 14 : i64} {
  func.func @_sc_body(%arg0: i32, %arg1: i32, %arg2: memref<10240x128xf32, #tpu.memory_space<hbm>>, %arg3: memref<2536x128xi32, #tpu.memory_space<hbm>>, %arg4: memref<2536x128xi32, #tpu.memory_space<hbm>>, %arg5: memref<20480x128xf32, #tpu.memory_space<hbm>>, %arg6: memref<128xi32, #tpu.memory_space<vmem>>, %arg7: memref<128xi32, #tpu.memory_space<vmem>>, %arg8: memref<128xi32, #tpu.memory_space<vmem>>, %arg9: memref<128xi32, #tpu.memory_space<vmem>>, %arg10: memref<128x128xf32, #tpu.memory_space<vmem>>, %arg11: memref<128x128xf32, #tpu.memory_space<vmem>>, %arg12: memref<16x128xf32, #tpu.memory_space<vmem>>, %arg13: memref<10240x128xf32, #tpu.memory_space<vmem_shared>>, %arg14: memref<!tpu.dma_semaphore, #tpu.memory_space<semaphore_mem>>, %arg15: memref<!tpu.dma_semaphore, #tpu.memory_space<semaphore_mem>>, %arg16: memref<!tpu.dma_semaphore, #tpu.memory_space<semaphore_mem>>, %arg17: memref<!tpu.dma_semaphore, #tpu.memory_space<semaphore_mem>>) attributes {dimension_semantics = [#tpu.dimension_semantics<core_parallel>, #tpu.dimension_semantics<subcore_parallel>], iteration_bounds = array<i64: 2, 16>, scalar_prefetch = 0 : i64, scratch_operands = 12 : i64, tpu.core_type = #tpu.core_type<sc_vector_subcore>, window_params = [{transform_indices = #map}, {transform_indices = #map}, {transform_indices = #map}, {transform_indices = #map}]} {
    %mul3A = arith.constant 16 : i32
    %mul3A_0 = arith.muli %arg0, %mul3A : i32
    %add3A = arith.addi %mul3A_0, %arg1 : i32
    %mul3A_1 = arith.constant 640 : i32
    %mul3A_2 = arith.muli %arg1, %mul3A_1 : i32
    %mul3A_3 = arith.constant 79 : i32
    %mul3A_4 = arith.muli %add3A, %mul3A_3 : i32
    %scan3A = arith.constant 0 : i32
    %scan3A_5 = arith.constant 0 : i32
    %scan3A_6 = arith.constant 128 : i32
    %scan3A_7 = arith.addi %scan3A_5, %scan3A_6 : i32
    %scan3A_8 = arith.constant 1 : i32
    %scan3A_9 = scf.for %scan3A_93 = %scan3A_5 to %scan3A_7 step %scan3A_8 iter_args(%scan3A_94 = %scan3A) -> (i32)  : i32 {
      %jit3A = arith.constant 8 : i32
      %div3A = arith.divsi %scan3A_93, %jit3A : i32
      %sign3A = arith.constant 0 : i32
      %sign3A_95 = arith.cmpi sgt, %scan3A_93, %sign3A : i32
      %sign3A_96 = arith.extui %sign3A_95 : i1 to i32
      %sign3A_97 = arith.constant 0 : i32
      %sign3A_98 = arith.cmpi slt, %scan3A_93, %sign3A_97 : i32
      %sign3A_99 = arith.extui %sign3A_98 : i1 to i32
      %sign3A_100 = arith.subi %sign3A_96, %sign3A_99 : i32
      %sign3A_101 = arith.constant 0 : i32
      %sign3A_102 = arith.cmpi sgt, %jit3A, %sign3A_101 : i32
      %sign3A_103 = arith.extui %sign3A_102 : i1 to i32
      %sign3A_104 = arith.constant 0 : i32
      %sign3A_105 = arith.cmpi slt, %jit3A, %sign3A_104 : i32
      %sign3A_106 = arith.extui %sign3A_105 : i1 to i32
      %sign3A_107 = arith.subi %sign3A_103, %sign3A_106 : i32
      %ne3A = arith.cmpi ne, %sign3A_100, %sign3A_107 : i32
      %rem3A = arith.remsi %scan3A_93, %jit3A : i32
      %ne3A_108 = arith.constant 0 : i32
      %ne3A_109 = arith.cmpi ne, %rem3A, %ne3A_108 : i32
      %and3A = arith.andi %ne3A, %ne3A_109 : i1
      %sub3A = arith.constant 1 : i32
      %sub3A_110 = arith.subi %div3A, %sub3A : i32
      %select_n3A = arith.select %and3A, %sub3A_110, %div3A : i32
      %jit3A_111 = arith.constant 8 : i32
      %eq3A = arith.constant 0 : i32
      %eq3A_112 = arith.cmpi eq, %jit3A_111, %eq3A : i32
      %jit3A_113 = arith.constant 1 : i32
      %select_n3A_114 = arith.select %eq3A_112, %jit3A_113, %jit3A_111 : i32
      %rem3A_115 = arith.remsi %scan3A_93, %select_n3A_114 : i32
      %ne3A_116 = arith.constant 0 : i32
      %ne3A_117 = arith.cmpi ne, %rem3A_115, %ne3A_116 : i32
      %lt3A = arith.constant 0 : i32
      %lt3A_118 = arith.cmpi slt, %rem3A_115, %lt3A : i32
      %lt3A_119 = arith.constant 0 : i32
      %lt3A_120 = arith.cmpi slt, %select_n3A_114, %lt3A_119 : i32
      %ne3A_121 = arith.xori %lt3A_118, %lt3A_120 : i1
      %and3A_122 = arith.andi %ne3A_121, %ne3A_117 : i1
      %add3A_123 = arith.addi %rem3A_115, %select_n3A_114 : i32
      %select_n3A_124 = arith.select %and3A_122, %add3A_123, %rem3A_115 : i32
      %broadcast_in_dim3A = arith.constant 0.000000e+00 : f32
      %broadcast_in_dim3A_125 = vector.broadcast %broadcast_in_dim3A : f32 to vector<16xf32>
      %mul3A_126 = arith.constant 16 : i32
      %mul3A_127 = arith.muli %select_n3A_124, %mul3A_126 : i32
      %swap3A = arith.index_cast %select_n3A : i32 to index
      %swap3A_128 = arith.index_cast %mul3A_127 : i32 to index
      %swap3A_129 = tpu.vector_load %arg12[%swap3A, %swap3A_128] {strides = array<i32>} : memref<16x128xf32, #tpu.memory_space<vmem>>, vector<1x16xf32>,
      %swap3A_130 = vector.shape_cast %swap3A_129 : vector<1x16xf32> to vector<16xf32>
      %swap3A_131 = vector.shape_cast %broadcast_in_dim3A_125 : vector<16xf32> to vector<1x16xf32>
      tpu.vector_store %arg12[%swap3A, %swap3A_128], %swap3A_131 {strides = array<i32>} : memref<16x128xf32, #tpu.memory_space<vmem>>, vector<1x16xf32>,
      %scan3A_132 = arith.constant 0 : i32
      scf.yield %scan3A_132 : i32
    }
    %scan3A_10 = arith.constant 128 : i32
    %scan3A_11 = arith.constant 0 : i32
    %scan3A_12 = arith.constant 0 : i32
    %scan3A_13 = arith.constant 40 : i32
    %scan3A_14 = arith.addi %scan3A_12, %scan3A_13 : i32
    %scan3A_15 = arith.constant 1 : i32
    %scan3A_16 = scf.for %scan3A_93 = %scan3A_12 to %scan3A_14 step %scan3A_15 iter_args(%scan3A_94 = %scan3A_11) -> (i32)  : i32 {
      %mul3A_95 = arith.constant 16 : i32
      %mul3A_96 = arith.muli %scan3A_93, %mul3A_95 : i32
      %add3A_97 = arith.addi %mul3A_2, %mul3A_96 : i32
      "tpu.region"() ({
        %run_scoped3A = tpu.sem_alloc : memref<!tpu.dma_semaphore, #tpu.memory_space<semaphore_mem>>
        %dma_start3A_99 = arith.constant 0 : i32
        %dma_start3A_100 = tpu.memref_slice %arg13[%add3A_97, %dma_start3A_99] : memref<10240x128xf32, #tpu.memory_space<vmem_shared>> -> memref<16x128xf32, #tpu.memory_space<vmem_shared>>
        %dma_start3A_101 = arith.constant 0 : i32
        %dma_start3A_102 = tpu.memref_slice %arg13[%add3A_97, %dma_start3A_101] : memref<10240x128xf32, #tpu.memory_space<vmem_shared>> -> memref<16x128xf32, #tpu.memory_space<vmem_shared>>
        tpu.enqueue_dma source(%arg12 : memref<16x128xf32, #tpu.memory_space<vmem>>) target(%dma_start3A_102 : memref<16x128xf32, #tpu.memory_space<vmem_shared>>) target_semaphore(%run_scoped3A : memref<!tpu.dma_semaphore, #tpu.memory_space<semaphore_mem>>)
        %dma_wait3A_103 = arith.constant 0 : i32
        %dma_wait3A_104 = tpu.memref_slice %arg13[%add3A_97, %dma_wait3A_103] : memref<10240x128xf32, #tpu.memory_space<vmem_shared>> -> memref<16x128xf32, #tpu.memory_space<vmem_shared>>
        %dma_wait3A_105 = arith.constant 0 : i32
        %dma_wait3A_106 = tpu.memref_slice %arg13[%add3A_97, %dma_wait3A_105] : memref<10240x128xf32, #tpu.memory_space<vmem_shared>> -> memref<16x128xf32, #tpu.memory_space<vmem_shared>>
        tpu.wait_dma2 semaphore(%run_scoped3A : memref<!tpu.dma_semaphore, #tpu.memory_space<semaphore_mem>>) src(%arg12 : memref<16x128xf32, #tpu.memory_space<vmem>>) dst(%dma_wait3A_106 : memref<16x128xf32, #tpu.memory_space<vmem_shared>>)
        tpu.yield
      }) : () -> ()
      %scan3A_98 = arith.constant 0 : i32
      scf.yield %scan3A_98 : i32
    }
    %scan3A_17 = arith.constant 40 : i32
    %barrier3A = arith.constant 0 : index
    tpu.barrier barrier_id(%barrier3A)
    %add3A_18 = arith.constant 0 : i32
    %add3A_19 = arith.addi %mul3A_4, %add3A_18 : i32
    %dma_start3A = arith.constant 0 : i32
    %dma_start3A_20 = tpu.memref_slice %arg3[%add3A_19, %dma_start3A] : memref<2536x128xi32, #tpu.memory_space<hbm>> -> memref<1x128xi32, #tpu.memory_space<hbm>>
    %dma_start3A_21 = tpu.memref_squeeze %dma_start3A_20 : memref<1x128xi32, #tpu.memory_space<hbm>> -> memref<128xi32, #tpu.memory_space<hbm>>
    %dma_start3A_22 = arith.constant 0 : i32
    %dma_start3A_23 = tpu.memref_slice %arg3[%add3A_19, %dma_start3A_22] : memref<2536x128xi32, #tpu.memory_space<hbm>> -> memref<1x128xi32, #tpu.memory_space<hbm>>
    %dma_start3A_24 = tpu.memref_squeeze %dma_start3A_23 : memref<1x128xi32, #tpu.memory_space<hbm>> -> memref<128xi32, #tpu.memory_space<hbm>>
    tpu.enqueue_dma source(%dma_start3A_24 : memref<128xi32, #tpu.memory_space<hbm>>) target(%arg6 : memref<128xi32, #tpu.memory_space<vmem>>) target_semaphore(%arg16 : memref<!tpu.dma_semaphore, #tpu.memory_space<semaphore_mem>>)
    %add3A_25 = arith.constant 0 : i32
    %add3A_26 = arith.addi %mul3A_4, %add3A_25 : i32
    %dma_start3A_27 = arith.constant 0 : i32
    %dma_start3A_28 = tpu.memref_slice %arg4[%add3A_26, %dma_start3A_27] : memref<2536x128xi32, #tpu.memory_space<hbm>> -> memref<1x128xi32, #tpu.memory_space<hbm>>
    %dma_start3A_29 = tpu.memref_squeeze %dma_start3A_28 : memref<1x128xi32, #tpu.memory_space<hbm>> -> memref<128xi32, #tpu.memory_space<hbm>>
    %dma_start3A_30 = arith.constant 0 : i32
    %dma_start3A_31 = tpu.memref_slice %arg4[%add3A_26, %dma_start3A_30] : memref<2536x128xi32, #tpu.memory_space<hbm>> -> memref<1x128xi32, #tpu.memory_space<hbm>>
    %dma_start3A_32 = tpu.memref_squeeze %dma_start3A_31 : memref<1x128xi32, #tpu.memory_space<hbm>> -> memref<128xi32, #tpu.memory_space<hbm>>
    tpu.enqueue_dma source(%dma_start3A_32 : memref<128xi32, #tpu.memory_space<hbm>>) target(%arg7 : memref<128xi32, #tpu.memory_space<vmem>>) target_semaphore(%arg16 : memref<!tpu.dma_semaphore, #tpu.memory_space<semaphore_mem>>)
    %dma_wait3A = arith.constant 0 : i32
    %dma_wait3A_33 = arith.constant 0 : i32
    %dma_wait3A_34 = tpu.memref_slice %arg3[%dma_wait3A, %dma_wait3A_33] : memref<2536x128xi32, #tpu.memory_space<hbm>> -> memref<1x128xi32, #tpu.memory_space<hbm>>
    %dma_wait3A_35 = tpu.memref_squeeze %dma_wait3A_34 : memref<1x128xi32, #tpu.memory_space<hbm>> -> memref<128xi32, #tpu.memory_space<hbm>>
    %dma_wait3A_36 = arith.constant 0 : i32
    %dma_wait3A_37 = tpu.memref_slice %arg3[%dma_wait3A, %dma_wait3A_36] : memref<2536x128xi32, #tpu.memory_space<hbm>> -> memref<1x128xi32, #tpu.memory_space<hbm>>
    %dma_wait3A_38 = tpu.memref_squeeze %dma_wait3A_37 : memref<1x128xi32, #tpu.memory_space<hbm>> -> memref<128xi32, #tpu.memory_space<hbm>>
    tpu.wait_dma2 semaphore(%arg16 : memref<!tpu.dma_semaphore, #tpu.memory_space<semaphore_mem>>) src(%dma_wait3A_38 : memref<128xi32, #tpu.memory_space<hbm>>) dst(%arg6 : memref<128xi32, #tpu.memory_space<vmem>>)
    %dma_wait3A_39 = arith.constant 0 : i32
    %dma_wait3A_40 = arith.constant 0 : i32
    %dma_wait3A_41 = tpu.memref_slice %arg4[%dma_wait3A_39, %dma_wait3A_40] : memref<2536x128xi32, #tpu.memory_space<hbm>> -> memref<1x128xi32, #tpu.memory_space<hbm>>
    %dma_wait3A_42 = tpu.memref_squeeze %dma_wait3A_41 : memref<1x128xi32, #tpu.memory_space<hbm>> -> memref<128xi32, #tpu.memory_space<hbm>>
    %dma_wait3A_43 = arith.constant 0 : i32
    %dma_wait3A_44 = tpu.memref_slice %arg4[%dma_wait3A_39, %dma_wait3A_43] : memref<2536x128xi32, #tpu.memory_space<hbm>> -> memref<1x128xi32, #tpu.memory_space<hbm>>
    %dma_wait3A_45 = tpu.memref_squeeze %dma_wait3A_44 : memref<1x128xi32, #tpu.memory_space<hbm>> -> memref<128xi32, #tpu.memory_space<hbm>>
    tpu.wait_dma2 semaphore(%arg16 : memref<!tpu.dma_semaphore, #tpu.memory_space<semaphore_mem>>) src(%dma_wait3A_45 : memref<128xi32, #tpu.memory_space<hbm>>) dst(%arg7 : memref<128xi32, #tpu.memory_space<vmem>>)
    %dma_start3A_46 = arith.constant 0 : i32
    %dma_start3A_47 = arith.constant 0 : i32
    %dma_start3A_48 = tpu.memref_slice %arg2[%dma_start3A_46, %dma_start3A_47] : memref<10240x128xf32, #tpu.memory_space<hbm>> -> memref<10240x128xf32, #tpu.memory_space<hbm>>
    tpu.enqueue_indirect_dma source(%dma_start3A_48 : memref<10240x128xf32, #tpu.memory_space<hbm>>) target(%arg10 : memref<128x128xf32, #tpu.memory_space<vmem>>) offsets(%arg6 : memref<128xi32, #tpu.memory_space<vmem>>) semaphore(%arg14 : memref<!tpu.dma_semaphore, #tpu.memory_space<semaphore_mem>>)
    %add3A_49 = arith.constant 1 : i32
    %add3A_50 = arith.addi %mul3A_4, %add3A_49 : i32
    %dma_start3A_51 = arith.constant 0 : i32
    %dma_start3A_52 = tpu.memref_slice %arg3[%add3A_50, %dma_start3A_51] : memref<2536x128xi32, #tpu.memory_space<hbm>> -> memref<1x128xi32, #tpu.memory_space<hbm>>
    %dma_start3A_53 = tpu.memref_squeeze %dma_start3A_52 : memref<1x128xi32, #tpu.memory_space<hbm>> -> memref<128xi32, #tpu.memory_space<hbm>>
    %dma_start3A_54 = arith.constant 0 : i32
    %dma_start3A_55 = tpu.memref_slice %arg3[%add3A_50, %dma_start3A_54] : memref<2536x128xi32, #tpu.memory_space<hbm>> -> memref<1x128xi32, #tpu.memory_space<hbm>>
    %dma_start3A_56 = tpu.memref_squeeze %dma_start3A_55 : memref<1x128xi32, #tpu.memory_space<hbm>> -> memref<128xi32, #tpu.memory_space<hbm>>
    tpu.enqueue_dma source(%dma_start3A_56 : memref<128xi32, #tpu.memory_space<hbm>>) target(%arg8 : memref<128xi32, #tpu.memory_space<vmem>>) target_semaphore(%arg17 : memref<!tpu.dma_semaphore, #tpu.memory_space<semaphore_mem>>)
    %add3A_57 = arith.constant 1 : i32
    %add3A_58 = arith.addi %mul3A_4, %add3A_57 : i32
    %dma_start3A_59 = arith.constant 0 : i32
    %dma_start3A_60 = tpu.memref_slice %arg4[%add3A_58, %dma_start3A_59] : memref<2536x128xi32, #tpu.memory_space<hbm>> -> memref<1x128xi32, #tpu.memory_space<hbm>>
    %dma_start3A_61 = tpu.memref_squeeze %dma_start3A_60 : memref<1x128xi32, #tpu.memory_space<hbm>> -> memref<128xi32, #tpu.memory_space<hbm>>
    %dma_start3A_62 = arith.constant 0 : i32
    %dma_start3A_63 = tpu.memref_slice %arg4[%add3A_58, %dma_start3A_62] : memref<2536x128xi32, #tpu.memory_space<hbm>> -> memref<1x128xi32, #tpu.memory_space<hbm>>
    %dma_start3A_64 = tpu.memref_squeeze %dma_start3A_63 : memref<1x128xi32, #tpu.memory_space<hbm>> -> memref<128xi32, #tpu.memory_space<hbm>>
    tpu.enqueue_dma source(%dma_start3A_64 : memref<128xi32, #tpu.memory_space<hbm>>) target(%arg9 : memref<128xi32, #tpu.memory_space<vmem>>) target_semaphore(%arg17 : memref<!tpu.dma_semaphore, #tpu.memory_space<semaphore_mem>>)
    %scan3A_65 = arith.constant 0 : i32
    %scan3A_66 = arith.constant 0 : i32
    %scan3A_67 = arith.constant 39 : i32
    %scan3A_68 = arith.addi %scan3A_66, %scan3A_67 : i32
    %scan3A_69 = arith.constant 1 : i32
    %scan3A_70 = scf.for %scan3A_93 = %scan3A_66 to %scan3A_68 step %scan3A_69 iter_args(%scan3A_94 = %scan3A_65) -> (i32)  : i32 {
      %mul3A_95 = arith.constant 2 : i32
      %mul3A_96 = arith.muli %mul3A_95, %scan3A_93 : i32
      %dma_wait3A_97 = arith.constant 0 : i32
      %dma_wait3A_98 = arith.constant 0 : i32
      %dma_wait3A_99 = tpu.memref_slice %arg3[%dma_wait3A_97, %dma_wait3A_98] : memref<2536x128xi32, #tpu.memory_space<hbm>> -> memref<1x128xi32, #tpu.memory_space<hbm>>
      %dma_wait3A_100 = tpu.memref_squeeze %dma_wait3A_99 : memref<1x128xi32, #tpu.memory_space<hbm>> -> memref<128xi32, #tpu.memory_space<hbm>>
      %dma_wait3A_101 = arith.constant 0 : i32
      %dma_wait3A_102 = tpu.memref_slice %arg3[%dma_wait3A_97, %dma_wait3A_101] : memref<2536x128xi32, #tpu.memory_space<hbm>> -> memref<1x128xi32, #tpu.memory_space<hbm>>
      %dma_wait3A_103 = tpu.memref_squeeze %dma_wait3A_102 : memref<1x128xi32, #tpu.memory_space<hbm>> -> memref<128xi32, #tpu.memory_space<hbm>>
      tpu.wait_dma2 semaphore(%arg17 : memref<!tpu.dma_semaphore, #tpu.memory_space<semaphore_mem>>) src(%dma_wait3A_103 : memref<128xi32, #tpu.memory_space<hbm>>) dst(%arg8 : memref<128xi32, #tpu.memory_space<vmem>>)
      %dma_wait3A_104 = arith.constant 0 : i32
      %dma_wait3A_105 = arith.constant 0 : i32
      %dma_wait3A_106 = tpu.memref_slice %arg4[%dma_wait3A_104, %dma_wait3A_105] : memref<2536x128xi32, #tpu.memory_space<hbm>> -> memref<1x128xi32, #tpu.memory_space<hbm>>
      %dma_wait3A_107 = tpu.memref_squeeze %dma_wait3A_106 : memref<1x128xi32, #tpu.memory_space<hbm>> -> memref<128xi32, #tpu.memory_space<hbm>>
      %dma_wait3A_108 = arith.constant 0 : i32
      %dma_wait3A_109 = tpu.memref_slice %arg4[%dma_wait3A_104, %dma_wait3A_108] : memref<2536x128xi32, #tpu.memory_space<hbm>> -> memref<1x128xi32, #tpu.memory_space<hbm>>
      %dma_wait3A_110 = tpu.memref_squeeze %dma_wait3A_109 : memref<1x128xi32, #tpu.memory_space<hbm>> -> memref<128xi32, #tpu.memory_space<hbm>>
      tpu.wait_dma2 semaphore(%arg17 : memref<!tpu.dma_semaphore, #tpu.memory_space<semaphore_mem>>) src(%dma_wait3A_110 : memref<128xi32, #tpu.memory_space<hbm>>) dst(%arg9 : memref<128xi32, #tpu.memory_space<vmem>>)
      %dma_start3A_111 = arith.constant 0 : i32
      %dma_start3A_112 = arith.constant 0 : i32
      %dma_start3A_113 = tpu.memref_slice %arg2[%dma_start3A_111, %dma_start3A_112] : memref<10240x128xf32, #tpu.memory_space<hbm>> -> memref<10240x128xf32, #tpu.memory_space<hbm>>
      tpu.enqueue_indirect_dma source(%dma_start3A_113 : memref<10240x128xf32, #tpu.memory_space<hbm>>) target(%arg11 : memref<128x128xf32, #tpu.memory_space<vmem>>) offsets(%arg8 : memref<128xi32, #tpu.memory_space<vmem>>) semaphore(%arg15 : memref<!tpu.dma_semaphore, #tpu.memory_space<semaphore_mem>>)
      %dma_wait3A_114 = arith.constant 0 : i32
      %dma_wait3A_115 = arith.constant 0 : i32
      %dma_wait3A_116 = tpu.memref_slice %arg2[%dma_wait3A_114, %dma_wait3A_115] : memref<10240x128xf32, #tpu.memory_space<hbm>> -> memref<10240x128xf32, #tpu.memory_space<hbm>>
      tpu.wait_indirect_dma semaphore(%arg14 : memref<!tpu.dma_semaphore, #tpu.memory_space<semaphore_mem>>) src(%dma_wait3A_116 : memref<10240x128xf32, #tpu.memory_space<hbm>>) dst(%arg10 : memref<128x128xf32, #tpu.memory_space<vmem>>)
      "tpu.region"() ({
        %run_scoped3A = tpu.sem_alloc : memref<!tpu.dma_semaphore, #tpu.memory_space<semaphore_mem>>
        %dma_start3A_170 = arith.constant 0 : i32
        %dma_start3A_171 = arith.constant 0 : i32
        %dma_start3A_172 = tpu.memref_slice %arg13[%dma_start3A_170, %dma_start3A_171] : memref<10240x128xf32, #tpu.memory_space<vmem_shared>> -> memref<10240x128xf32, #tpu.memory_space<vmem_shared>>
        tpu.enqueue_indirect_dma source(%arg10 : memref<128x128xf32, #tpu.memory_space<vmem>>) target(%dma_start3A_172 : memref<10240x128xf32, #tpu.memory_space<vmem_shared>>) offsets(%arg7 : memref<128xi32, #tpu.memory_space<vmem>>) semaphore(%run_scoped3A : memref<!tpu.dma_semaphore, #tpu.memory_space<semaphore_mem>>) {add = true}
        %dma_wait3A_173 = arith.constant 0 : i32
        %dma_wait3A_174 = arith.constant 0 : i32
        %dma_wait3A_175 = tpu.memref_slice %arg13[%dma_wait3A_173, %dma_wait3A_174] : memref<10240x128xf32, #tpu.memory_space<vmem_shared>> -> memref<10240x128xf32, #tpu.memory_space<vmem_shared>>
        tpu.wait_indirect_dma semaphore(%run_scoped3A : memref<!tpu.dma_semaphore, #tpu.memory_space<semaphore_mem>>) src(%arg10 : memref<128x128xf32, #tpu.memory_space<vmem>>) dst(%dma_wait3A_175 : memref<10240x128xf32, #tpu.memory_space<vmem_shared>>)
        tpu.yield
      }) : () -> ()
      %add3A_117 = arith.constant 2 : i32
      %add3A_118 = arith.addi %mul3A_96, %add3A_117 : i32
      %add3A_119 = arith.addi %mul3A_4, %add3A_118 : i32
      %dma_start3A_120 = arith.constant 0 : i32
      %dma_start3A_121 = tpu.memref_slice %arg3[%add3A_119, %dma_start3A_120] : memref<2536x128xi32, #tpu.memory_space<hbm>> -> memref<1x128xi32, #tpu.memory_space<hbm>>
      %dma_start3A_122 = tpu.memref_squeeze %dma_start3A_121 : memref<1x128xi32, #tpu.memory_space<hbm>> -> memref<128xi32, #tpu.memory_space<hbm>>
      %dma_start3A_123 = arith.constant 0 : i32
      %dma_start3A_124 = tpu.memref_slice %arg3[%add3A_119, %dma_start3A_123] : memref<2536x128xi32, #tpu.memory_space<hbm>> -> memref<1x128xi32, #tpu.memory_space<hbm>>
      %dma_start3A_125 = tpu.memref_squeeze %dma_start3A_124 : memref<1x128xi32, #tpu.memory_space<hbm>> -> memref<128xi32, #tpu.memory_space<hbm>>
      tpu.enqueue_dma source(%dma_start3A_125 : memref<128xi32, #tpu.memory_space<hbm>>) target(%arg6 : memref<128xi32, #tpu.memory_space<vmem>>) target_semaphore(%arg16 : memref<!tpu.dma_semaphore, #tpu.memory_space<semaphore_mem>>)
      %add3A_126 = arith.addi %mul3A_4, %add3A_118 : i32
      %dma_start3A_127 = arith.constant 0 : i32
      %dma_start3A_128 = tpu.memref_slice %arg4[%add3A_126, %dma_start3A_127] : memref<2536x128xi32, #tpu.memory_space<hbm>> -> memref<1x128xi32, #tpu.memory_space<hbm>>
      %dma_start3A_129 = tpu.memref_squeeze %dma_start3A_128 : memref<1x128xi32, #tpu.memory_space<hbm>> -> memref<128xi32, #tpu.memory_space<hbm>>
      %dma_start3A_130 = arith.constant 0 : i32
      %dma_start3A_131 = tpu.memref_slice %arg4[%add3A_126, %dma_start3A_130] : memref<2536x128xi32, #tpu.memory_space<hbm>> -> memref<1x128xi32, #tpu.memory_space<hbm>>
      %dma_start3A_132 = tpu.memref_squeeze %dma_start3A_131 : memref<1x128xi32, #tpu.memory_space<hbm>> -> memref<128xi32, #tpu.memory_space<hbm>>
      tpu.enqueue_dma source(%dma_start3A_132 : memref<128xi32, #tpu.memory_space<hbm>>) target(%arg7 : memref<128xi32, #tpu.memory_space<vmem>>) target_semaphore(%arg16 : memref<!tpu.dma_semaphore, #tpu.memory_space<semaphore_mem>>)
      %dma_wait3A_133 = arith.constant 0 : i32
      %dma_wait3A_134 = arith.constant 0 : i32
      %dma_wait3A_135 = tpu.memref_slice %arg3[%dma_wait3A_133, %dma_wait3A_134] : memref<2536x128xi32, #tpu.memory_space<hbm>> -> memref<1x128xi32, #tpu.memory_space<hbm>>
      %dma_wait3A_136 = tpu.memref_squeeze %dma_wait3A_135 : memref<1x128xi32, #tpu.memory_space<hbm>> -> memref<128xi32, #tpu.memory_space<hbm>>
      %dma_wait3A_137 = arith.constant 0 : i32
      %dma_wait3A_138 = tpu.memref_slice %arg3[%dma_wait3A_133, %dma_wait3A_137] : memref<2536x128xi32, #tpu.memory_space<hbm>> -> memref<1x128xi32, #tpu.memory_space<hbm>>
      %dma_wait3A_139 = tpu.memref_squeeze %dma_wait3A_138 : memref<1x128xi32, #tpu.memory_space<hbm>> -> memref<128xi32, #tpu.memory_space<hbm>>
      tpu.wait_dma2 semaphore(%arg16 : memref<!tpu.dma_semaphore, #tpu.memory_space<semaphore_mem>>) src(%dma_wait3A_139 : memref<128xi32, #tpu.memory_space<hbm>>) dst(%arg6 : memref<128xi32, #tpu.memory_space<vmem>>)
      %dma_wait3A_140 = arith.constant 0 : i32
      %dma_wait3A_141 = arith.constant 0 : i32
      %dma_wait3A_142 = tpu.memref_slice %arg4[%dma_wait3A_140, %dma_wait3A_141] : memref<2536x128xi32, #tpu.memory_space<hbm>> -> memref<1x128xi32, #tpu.memory_space<hbm>>
      %dma_wait3A_143 = tpu.memref_squeeze %dma_wait3A_142 : memref<1x128xi32, #tpu.memory_space<hbm>> -> memref<128xi32, #tpu.memory_space<hbm>>
      %dma_wait3A_144 = arith.constant 0 : i32
      %dma_wait3A_145 = tpu.memref_slice %arg4[%dma_wait3A_140, %dma_wait3A_144] : memref<2536x128xi32, #tpu.memory_space<hbm>> -> memref<1x128xi32, #tpu.memory_space<hbm>>
      %dma_wait3A_146 = tpu.memref_squeeze %dma_wait3A_145 : memref<1x128xi32, #tpu.memory_space<hbm>> -> memref<128xi32, #tpu.memory_space<hbm>>
      tpu.wait_dma2 semaphore(%arg16 : memref<!tpu.dma_semaphore, #tpu.memory_space<semaphore_mem>>) src(%dma_wait3A_146 : memref<128xi32, #tpu.memory_space<hbm>>) dst(%arg7 : memref<128xi32, #tpu.memory_space<vmem>>)
      %dma_start3A_147 = arith.constant 0 : i32
      %dma_start3A_148 = arith.constant 0 : i32
      %dma_start3A_149 = tpu.memref_slice %arg2[%dma_start3A_147, %dma_start3A_148] : memref<10240x128xf32, #tpu.memory_space<hbm>> -> memref<10240x128xf32, #tpu.memory_space<hbm>>
      tpu.enqueue_indirect_dma source(%dma_start3A_149 : memref<10240x128xf32, #tpu.memory_space<hbm>>) target(%arg10 : memref<128x128xf32, #tpu.memory_space<vmem>>) offsets(%arg6 : memref<128xi32, #tpu.memory_space<vmem>>) semaphore(%arg14 : memref<!tpu.dma_semaphore, #tpu.memory_space<semaphore_mem>>)
      %dma_wait3A_150 = arith.constant 0 : i32
      %dma_wait3A_151 = arith.constant 0 : i32
      %dma_wait3A_152 = tpu.memref_slice %arg2[%dma_wait3A_150, %dma_wait3A_151] : memref<10240x128xf32, #tpu.memory_space<hbm>> -> memref<10240x128xf32, #tpu.memory_space<hbm>>
      tpu.wait_indirect_dma semaphore(%arg15 : memref<!tpu.dma_semaphore, #tpu.memory_space<semaphore_mem>>) src(%dma_wait3A_152 : memref<10240x128xf32, #tpu.memory_space<hbm>>) dst(%arg11 : memref<128x128xf32, #tpu.memory_space<vmem>>)
      "tpu.region"() ({
        %run_scoped3A = tpu.sem_alloc : memref<!tpu.dma_semaphore, #tpu.memory_space<semaphore_mem>>
        %dma_start3A_170 = arith.constant 0 : i32
        %dma_start3A_171 = arith.constant 0 : i32
        %dma_start3A_172 = tpu.memref_slice %arg13[%dma_start3A_170, %dma_start3A_171] : memref<10240x128xf32, #tpu.memory_space<vmem_shared>> -> memref<10240x128xf32, #tpu.memory_space<vmem_shared>>
        tpu.enqueue_indirect_dma source(%arg11 : memref<128x128xf32, #tpu.memory_space<vmem>>) target(%dma_start3A_172 : memref<10240x128xf32, #tpu.memory_space<vmem_shared>>) offsets(%arg9 : memref<128xi32, #tpu.memory_space<vmem>>) semaphore(%run_scoped3A : memref<!tpu.dma_semaphore, #tpu.memory_space<semaphore_mem>>) {add = true}
        %dma_wait3A_173 = arith.constant 0 : i32
        %dma_wait3A_174 = arith.constant 0 : i32
        %dma_wait3A_175 = tpu.memref_slice %arg13[%dma_wait3A_173, %dma_wait3A_174] : memref<10240x128xf32, #tpu.memory_space<vmem_shared>> -> memref<10240x128xf32, #tpu.memory_space<vmem_shared>>
        tpu.wait_indirect_dma semaphore(%run_scoped3A : memref<!tpu.dma_semaphore, #tpu.memory_space<semaphore_mem>>) src(%arg11 : memref<128x128xf32, #tpu.memory_space<vmem>>) dst(%dma_wait3A_175 : memref<10240x128xf32, #tpu.memory_space<vmem_shared>>)
        tpu.yield
      }) : () -> ()
      %add3A_153 = arith.constant 3 : i32
      %add3A_154 = arith.addi %mul3A_96, %add3A_153 : i32
      %add3A_155 = arith.addi %mul3A_4, %add3A_154 : i32
      %dma_start3A_156 = arith.constant 0 : i32
      %dma_start3A_157 = tpu.memref_slice %arg3[%add3A_155, %dma_start3A_156] : memref<2536x128xi32, #tpu.memory_space<hbm>> -> memref<1x128xi32, #tpu.memory_space<hbm>>
      %dma_start3A_158 = tpu.memref_squeeze %dma_start3A_157 : memref<1x128xi32, #tpu.memory_space<hbm>> -> memref<128xi32, #tpu.memory_space<hbm>>
      %dma_start3A_159 = arith.constant 0 : i32
      %dma_start3A_160 = tpu.memref_slice %arg3[%add3A_155, %dma_start3A_159] : memref<2536x128xi32, #tpu.memory_space<hbm>> -> memref<1x128xi32, #tpu.memory_space<hbm>>
      %dma_start3A_161 = tpu.memref_squeeze %dma_start3A_160 : memref<1x128xi32, #tpu.memory_space<hbm>> -> memref<128xi32, #tpu.memory_space<hbm>>
      tpu.enqueue_dma source(%dma_start3A_161 : memref<128xi32, #tpu.memory_space<hbm>>) target(%arg8 : memref<128xi32, #tpu.memory_space<vmem>>) target_semaphore(%arg17 : memref<!tpu.dma_semaphore, #tpu.memory_space<semaphore_mem>>)
      %add3A_162 = arith.addi %mul3A_4, %add3A_154 : i32
      %dma_start3A_163 = arith.constant 0 : i32
      %dma_start3A_164 = tpu.memref_slice %arg4[%add3A_162, %dma_start3A_163] : memref<2536x128xi32, #tpu.memory_space<hbm>> -> memref<1x128xi32, #tpu.memory_space<hbm>>
      %dma_start3A_165 = tpu.memref_squeeze %dma_start3A_164 : memref<1x128xi32, #tpu.memory_space<hbm>> -> memref<128xi32, #tpu.memory_space<hbm>>
      %dma_start3A_166 = arith.constant 0 : i32
      %dma_start3A_167 = tpu.memref_slice %arg4[%add3A_162, %dma_start3A_166] : memref<2536x128xi32, #tpu.memory_space<hbm>> -> memref<1x128xi32, #tpu.memory_space<hbm>>
      %dma_start3A_168 = tpu.memref_squeeze %dma_start3A_167 : memref<1x128xi32, #tpu.memory_space<hbm>> -> memref<128xi32, #tpu.memory_space<hbm>>
      tpu.enqueue_dma source(%dma_start3A_168 : memref<128xi32, #tpu.memory_space<hbm>>) target(%arg9 : memref<128xi32, #tpu.memory_space<vmem>>) target_semaphore(%arg17 : memref<!tpu.dma_semaphore, #tpu.memory_space<semaphore_mem>>)
      %scan3A_169 = arith.constant 0 : i32
      scf.yield %scan3A_169 : i32
    }
    %scan3A_71 = arith.constant 39 : i32
    %dma_wait3A_72 = arith.constant 0 : i32
    %dma_wait3A_73 = arith.constant 0 : i32
    %dma_wait3A_74 = tpu.memref_slice %arg2[%dma_wait3A_72, %dma_wait3A_73] : memref<10240x128xf32, #tpu.memory_space<hbm>> -> memref<10240x128xf32, #tpu.memory_space<hbm>>
    tpu.wait_indirect_dma semaphore(%arg14 : memref<!tpu.dma_semaphore, #tpu.memory_space<semaphore_mem>>) src(%dma_wait3A_74 : memref<10240x128xf32, #tpu.memory_space<hbm>>) dst(%arg10 : memref<128x128xf32, #tpu.memory_space<vmem>>)
    "tpu.region"() ({
      %run_scoped3A = tpu.sem_alloc : memref<!tpu.dma_semaphore, #tpu.memory_space<semaphore_mem>>
      %dma_start3A_93 = arith.constant 0 : i32
      %dma_start3A_94 = arith.constant 0 : i32
      %dma_start3A_95 = tpu.memref_slice %arg13[%dma_start3A_93, %dma_start3A_94] : memref<10240x128xf32, #tpu.memory_space<vmem_shared>> -> memref<10240x128xf32, #tpu.memory_space<vmem_shared>>
      tpu.enqueue_indirect_dma source(%arg10 : memref<128x128xf32, #tpu.memory_space<vmem>>) target(%dma_start3A_95 : memref<10240x128xf32, #tpu.memory_space<vmem_shared>>) offsets(%arg7 : memref<128xi32, #tpu.memory_space<vmem>>) semaphore(%run_scoped3A : memref<!tpu.dma_semaphore, #tpu.memory_space<semaphore_mem>>) {add = true}
      %dma_wait3A_96 = arith.constant 0 : i32
      %dma_wait3A_97 = arith.constant 0 : i32
      %dma_wait3A_98 = tpu.memref_slice %arg13[%dma_wait3A_96, %dma_wait3A_97] : memref<10240x128xf32, #tpu.memory_space<vmem_shared>> -> memref<10240x128xf32, #tpu.memory_space<vmem_shared>>
      tpu.wait_indirect_dma semaphore(%run_scoped3A : memref<!tpu.dma_semaphore, #tpu.memory_space<semaphore_mem>>) src(%arg10 : memref<128x128xf32, #tpu.memory_space<vmem>>) dst(%dma_wait3A_98 : memref<10240x128xf32, #tpu.memory_space<vmem_shared>>)
      tpu.yield
    }) : () -> ()
    %dma_wait3A_75 = arith.constant 0 : i32
    %dma_wait3A_76 = arith.constant 0 : i32
    %dma_wait3A_77 = tpu.memref_slice %arg3[%dma_wait3A_75, %dma_wait3A_76] : memref<2536x128xi32, #tpu.memory_space<hbm>> -> memref<1x128xi32, #tpu.memory_space<hbm>>
    %dma_wait3A_78 = tpu.memref_squeeze %dma_wait3A_77 : memref<1x128xi32, #tpu.memory_space<hbm>> -> memref<128xi32, #tpu.memory_space<hbm>>
    %dma_wait3A_79 = arith.constant 0 : i32
    %dma_wait3A_80 = tpu.memref_slice %arg3[%dma_wait3A_75, %dma_wait3A_79] : memref<2536x128xi32, #tpu.memory_space<hbm>> -> memref<1x128xi32, #tpu.memory_space<hbm>>
    %dma_wait3A_81 = tpu.memref_squeeze %dma_wait3A_80 : memref<1x128xi32, #tpu.memory_space<hbm>> -> memref<128xi32, #tpu.memory_space<hbm>>
    tpu.wait_dma2 semaphore(%arg17 : memref<!tpu.dma_semaphore, #tpu.memory_space<semaphore_mem>>) src(%dma_wait3A_81 : memref<128xi32, #tpu.memory_space<hbm>>) dst(%arg8 : memref<128xi32, #tpu.memory_space<vmem>>)
    %dma_wait3A_82 = arith.constant 0 : i32
    %dma_wait3A_83 = arith.constant 0 : i32
    %dma_wait3A_84 = tpu.memref_slice %arg4[%dma_wait3A_82, %dma_wait3A_83] : memref<2536x128xi32, #tpu.memory_space<hbm>> -> memref<1x128xi32, #tpu.memory_space<hbm>>
    %dma_wait3A_85 = tpu.memref_squeeze %dma_wait3A_84 : memref<1x128xi32, #tpu.memory_space<hbm>> -> memref<128xi32, #tpu.memory_space<hbm>>
    %dma_wait3A_86 = arith.constant 0 : i32
    %dma_wait3A_87 = tpu.memref_slice %arg4[%dma_wait3A_82, %dma_wait3A_86] : memref<2536x128xi32, #tpu.memory_space<hbm>> -> memref<1x128xi32, #tpu.memory_space<hbm>>
    %dma_wait3A_88 = tpu.memref_squeeze %dma_wait3A_87 : memref<1x128xi32, #tpu.memory_space<hbm>> -> memref<128xi32, #tpu.memory_space<hbm>>
    tpu.wait_dma2 semaphore(%arg17 : memref<!tpu.dma_semaphore, #tpu.memory_space<semaphore_mem>>) src(%dma_wait3A_88 : memref<128xi32, #tpu.memory_space<hbm>>) dst(%arg9 : memref<128xi32, #tpu.memory_space<vmem>>)
    %barrier3A_89 = arith.constant 0 : index
    tpu.barrier barrier_id(%barrier3A_89)
    %mul3A_90 = arith.constant 10240 : i32
    %mul3A_91 = arith.muli %arg0, %mul3A_90 : i32
    %add3A_92 = arith.addi %mul3A_91, %mul3A_2 : i32
    "tpu.region"() ({
      %run_scoped3A = tpu.sem_alloc : memref<!tpu.dma_semaphore, #tpu.memory_space<semaphore_mem>>
      %dma_start3A_93 = arith.constant 0 : i32
      %dma_start3A_94 = tpu.memref_slice %arg5[%add3A_92, %dma_start3A_93] : memref<20480x128xf32, #tpu.memory_space<hbm>> -> memref<640x128xf32, #tpu.memory_space<hbm>>
      %dma_start3A_95 = arith.constant 0 : i32
      %dma_start3A_96 = tpu.memref_slice %arg13[%mul3A_2, %dma_start3A_95] : memref<10240x128xf32, #tpu.memory_space<vmem_shared>> -> memref<640x128xf32, #tpu.memory_space<vmem_shared>>
      tpu.enqueue_dma source(%dma_start3A_96 : memref<640x128xf32, #tpu.memory_space<vmem_shared>>) target(%dma_start3A_94 : memref<640x128xf32, #tpu.memory_space<hbm>>) target_semaphore(%run_scoped3A : memref<!tpu.dma_semaphore, #tpu.memory_space<semaphore_mem>>)
      %dma_wait3A_97 = arith.constant 0 : i32
      %dma_wait3A_98 = tpu.memref_slice %arg5[%add3A_92, %dma_wait3A_97] : memref<20480x128xf32, #tpu.memory_space<hbm>> -> memref<640x128xf32, #tpu.memory_space<hbm>>
      %dma_wait3A_99 = arith.constant 0 : i32
      %dma_wait3A_100 = tpu.memref_slice %arg13[%mul3A_2, %dma_wait3A_99] : memref<10240x128xf32, #tpu.memory_space<vmem_shared>> -> memref<640x128xf32, #tpu.memory_space<vmem_shared>>
      tpu.wait_dma2 semaphore(%run_scoped3A : memref<!tpu.dma_semaphore, #tpu.memory_space<semaphore_mem>>) src(%dma_wait3A_100 : memref<640x128xf32, #tpu.memory_space<vmem_shared>>) dst(%dma_wait3A_98 : memref<640x128xf32, #tpu.memory_space<hbm>>)
      tpu.yield
    }) : () -> ()
    return
  }
}

module attributes {stable_mosaic.version = 14 : i64} {
  func.func @_dual_matmul_body(%arg0: i32, %arg1: memref<2048x128xf32, #tpu.memory_space<vmem>>, %arg2: memref<128x128xf32, #tpu.memory_space<vmem>>, %arg3: memref<128x128xf32, #tpu.memory_space<vmem>>, %arg4: memref<2048x128xf32, #tpu.memory_space<vmem>>, %arg5: memref<2048x128xf32, #tpu.memory_space<vmem>>) attributes {dimension_semantics = [#tpu.dimension_semantics<arbitrary>], iteration_bounds = array<i64: 5>, scalar_prefetch = 0 : i64, scratch_operands = 0 : i64, tpu.core_type = #tpu.core_type<tc>, window_params = [{transform_indices = @transform_0, window_bounds = array<i64: 2048, 128>}, {pipeline_mode = #tpu.pipeline_mode<synchronous>, transform_indices = @transform_1, window_bounds = array<i64: 128, 128>}, {pipeline_mode = #tpu.pipeline_mode<synchronous>, transform_indices = @transform_2, window_bounds = array<i64: 128, 128>}, {transform_indices = @transform_3, window_bounds = array<i64: 2048, 128>}, {transform_indices = @transform_4, window_bounds = array<i64: 2048, 128>}]} {
    %get3A = arith.constant 0 : index
    %get3A_0 = arith.constant 0 : index
    %get3A_1 = vector.load %arg1[%get3A, %get3A_0] : memref<2048x128xf32, #tpu.memory_space<vmem>>, vector<2048x128xf32>
    %get3A_2 = arith.constant 0 : index
    %get3A_3 = arith.constant 0 : index
    %get3A_4 = vector.load %arg2[%get3A_2, %get3A_3] : memref<128x128xf32, #tpu.memory_space<vmem>>, vector<128x128xf32>
    %dot_general3A = arith.constant dense<0.000000e+00> : vector<2048x128xf32>
    %dot_general3A_5 = tpu.matmul %get3A_1, %get3A_4, %dot_general3A {dimension_numbers = #tpu.dot_dimension_numbers<[1], [1], [0], [0], [0, 0, 1, 0], [], []>, transpose_lhs_hint = false} : vector<2048x128xf32>, vector<128x128xf32>, vector<2048x128xf32> -> vector<2048x128xf32>
    %swap3A = arith.constant 0 : index
    %swap3A_6 = arith.constant 0 : index
    %swap3A_7 = vector.load %arg4[%swap3A, %swap3A_6] : memref<2048x128xf32, #tpu.memory_space<vmem>>, vector<2048x128xf32>
    tpu.vector_store %arg4[%swap3A, %swap3A_6], %dot_general3A_5 {strides = array<i32>} : memref<2048x128xf32, #tpu.memory_space<vmem>>, vector<2048x128xf32>,
    %get3A_8 = arith.constant 0 : index
    %get3A_9 = arith.constant 0 : index
    %get3A_10 = vector.load %arg3[%get3A_8, %get3A_9] : memref<128x128xf32, #tpu.memory_space<vmem>>, vector<128x128xf32>
    %dot_general3A_11 = arith.constant dense<0.000000e+00> : vector<2048x128xf32>
    %dot_general3A_12 = tpu.matmul %get3A_1, %get3A_10, %dot_general3A_11 {dimension_numbers = #tpu.dot_dimension_numbers<[1], [1], [0], [0], [0, 0, 1, 0], [], []>, transpose_lhs_hint = false} : vector<2048x128xf32>, vector<128x128xf32>, vector<2048x128xf32> -> vector<2048x128xf32>
    %swap3A_13 = arith.constant 0 : index
    %swap3A_14 = arith.constant 0 : index
    %swap3A_15 = vector.load %arg5[%swap3A_13, %swap3A_14] : memref<2048x128xf32, #tpu.memory_space<vmem>>, vector<2048x128xf32>
    tpu.vector_store %arg5[%swap3A_13, %swap3A_14], %dot_general3A_12 {strides = array<i32>} : memref<2048x128xf32, #tpu.memory_space<vmem>>, vector<2048x128xf32>,
    return
  }
  func.func @transform_0(%arg0: i32) -> (i32, i32) {
    %c0_i32 = arith.constant 0 : i32
    %c0_i32_0 = arith.constant 0 : i32
    return %arg0, %c0_i32 : i32, i32
  }
  func.func @transform_1(%arg0: i32) -> (i32, i32) {
    %c0_i32 = arith.constant 0 : i32
    %c0_i32_0 = arith.constant 0 : i32
    %c0_i32_1 = arith.constant 0 : i32
    return %c0_i32, %c0_i32_0 : i32, i32
  }
  func.func @transform_2(%arg0: i32) -> (i32, i32) {
    %c0_i32 = arith.constant 0 : i32
    %c0_i32_0 = arith.constant 0 : i32
    %c0_i32_1 = arith.constant 0 : i32
    return %c0_i32, %c0_i32_0 : i32, i32
  }
  func.func @transform_3(%arg0: i32) -> (i32, i32) {
    %c0_i32 = arith.constant 0 : i32
    %c0_i32_0 = arith.constant 0 : i32
    return %arg0, %c0_i32 : i32, i32
  }
  func.func @transform_4(%arg0: i32) -> (i32, i32) {
    %c0_i32 = arith.constant 0 : i32
    %c0_i32_0 = arith.constant 0 : i32
    return %arg0, %c0_i32 : i32, i32
  }
}

module attributes {stable_mosaic.version = 14 : i64} {
  func.func @_mid_body(%arg0: i32, %arg1: memref<2048x128xf32, #tpu.memory_space<vmem>>, %arg2: memref<2048x128xf32, #tpu.memory_space<vmem>>, %arg3: memref<2048x128xf32, #tpu.memory_space<vmem>>, %arg4: memref<2048x128xf32, #tpu.memory_space<vmem>>, %arg5: memref<2048x128xf32, #tpu.memory_space<vmem>>, %arg6: memref<128xf32, #tpu.memory_space<vmem>>, %arg7: memref<128x128xf32, #tpu.memory_space<vmem>>, %arg8: memref<128x128xf32, #tpu.memory_space<vmem>>, %arg9: memref<2048x128xf32, #tpu.memory_space<vmem>>, %arg10: memref<2048x128xf32, #tpu.memory_space<vmem>>) attributes {dimension_semantics = [#tpu.dimension_semantics<arbitrary>], iteration_bounds = array<i64: 5>, scalar_prefetch = 0 : i64, scratch_operands = 0 : i64, tpu.core_type = #tpu.core_type<tc>, window_params = [{transform_indices = @transform_0, window_bounds = array<i64: 2048, 128>}, {transform_indices = @transform_1, window_bounds = array<i64: 2048, 128>}, {transform_indices = @transform_2, window_bounds = array<i64: 2048, 128>}, {transform_indices = @transform_3, window_bounds = array<i64: 2048, 128>}, {transform_indices = @transform_4, window_bounds = array<i64: 2048, 128>}, {pipeline_mode = #tpu.pipeline_mode<synchronous>, transform_indices = @transform_5, window_bounds = array<i64: 128>}, {pipeline_mode = #tpu.pipeline_mode<synchronous>, transform_indices = @transform_6, window_bounds = array<i64: 128, 128>}, {pipeline_mode = #tpu.pipeline_mode<synchronous>, transform_indices = @transform_7, window_bounds = array<i64: 128, 128>}, {transform_indices = @transform_8, window_bounds = array<i64: 2048, 128>}, {transform_indices = @transform_9, window_bounds = array<i64: 2048, 128>}]} {
    %get3A = arith.constant 0 : index
    %get3A_0 = arith.constant 0 : index
    %get3A_1 = vector.load %arg3[%get3A, %get3A_0] : memref<2048x128xf32, #tpu.memory_space<vmem>>, vector<2048x1xf32>
    %get3A_2 = vector.shape_cast %get3A_1 : vector<2048x1xf32> to vector<2048xf32>
    %get3A_3 = arith.constant 0 : index
    %get3A_4 = arith.constant 0 : index
    %get3A_5 = vector.load %arg4[%get3A_3, %get3A_4] : memref<2048x128xf32, #tpu.memory_space<vmem>>, vector<2048x1xf32>
    %get3A_6 = vector.shape_cast %get3A_5 : vector<2048x1xf32> to vector<2048xf32>
    %add3A = arith.addf %get3A_2, %get3A_6 : vector<2048xf32>
    %max3A = arith.constant 1.000000e+00 : f32
    %max3A_7 = vector.broadcast %max3A : f32 to vector<2048xf32>
    %max3A_8 = arith.maximumf %add3A, %max3A_7 : vector<2048xf32>
    %div3A = arith.constant 1.000000e+00 : f32
    %div3A_9 = vector.broadcast %div3A : f32 to vector<2048xf32>
    %div3A_10 = arith.divf %div3A_9, %max3A_8 : vector<2048xf32>
    %get3A_11 = arith.constant 0 : index
    %get3A_12 = arith.constant 0 : index
    %get3A_13 = vector.load %arg1[%get3A_11, %get3A_12] : memref<2048x128xf32, #tpu.memory_space<vmem>>, vector<2048x128xf32>
    %get3A_14 = arith.constant 0 : index
    %get3A_15 = arith.constant 0 : index
    %get3A_16 = vector.load %arg2[%get3A_14, %get3A_15] : memref<2048x128xf32, #tpu.memory_space<vmem>>, vector<2048x128xf32>
    %add3A_17 = arith.addf %get3A_13, %get3A_16 : vector<2048x128xf32>
    %broadcast_in_dim3A = vector.shape_cast %div3A_10 : vector<2048xf32> to vector<2048x1xf32>
    %mul3A = vector.broadcast %broadcast_in_dim3A : vector<2048x1xf32> to vector<2048x128xf32>
    %mul3A_18 = arith.mulf %add3A_17, %mul3A : vector<2048x128xf32>
    %get3A_19 = arith.constant 0 : index
    %get3A_20 = arith.constant 0 : index
    %get3A_21 = vector.load %arg5[%get3A_19, %get3A_20] : memref<2048x128xf32, #tpu.memory_space<vmem>>, vector<2048x128xf32>
    %add3A_22 = arith.addf %mul3A_18, %get3A_21 : vector<2048x128xf32>
    %get3A_23 = arith.constant 0 : index
    %get3A_24 = vector.load %arg6[%get3A_23] : memref<128xf32, #tpu.memory_space<vmem>>, vector<128xf32>
    %broadcast_in_dim3A_25 = vector.shape_cast %get3A_24 : vector<128xf32> to vector<1x128xf32>
    %add3A_26 = vector.broadcast %broadcast_in_dim3A_25 : vector<1x128xf32> to vector<2048x128xf32>
    %add3A_27 = arith.addf %add3A_22, %add3A_26 : vector<2048x128xf32>
    %max3A_28 = arith.constant 0.000000e+00 : f32
    %max3A_29 = vector.broadcast %max3A_28 : f32 to vector<2048x128xf32>
    %max3A_30 = arith.maximumf %add3A_27, %max3A_29 : vector<2048x128xf32>
    %get3A_31 = arith.constant 0 : index
    %get3A_32 = arith.constant 0 : index
    %get3A_33 = vector.load %arg7[%get3A_31, %get3A_32] : memref<128x128xf32, #tpu.memory_space<vmem>>, vector<128x128xf32>
    %dot_general3A = arith.constant dense<0.000000e+00> : vector<2048x128xf32>
    %dot_general3A_34 = tpu.matmul %max3A_30, %get3A_33, %dot_general3A {dimension_numbers = #tpu.dot_dimension_numbers<[1], [1], [0], [0], [0, 0, 1, 0], [], []>, transpose_lhs_hint = false} : vector<2048x128xf32>, vector<128x128xf32>, vector<2048x128xf32> -> vector<2048x128xf32>
    %swap3A = arith.constant 0 : index
    %swap3A_35 = arith.constant 0 : index
    %swap3A_36 = vector.load %arg9[%swap3A, %swap3A_35] : memref<2048x128xf32, #tpu.memory_space<vmem>>, vector<2048x128xf32>
    tpu.vector_store %arg9[%swap3A, %swap3A_35], %dot_general3A_34 {strides = array<i32>} : memref<2048x128xf32, #tpu.memory_space<vmem>>, vector<2048x128xf32>,
    %get3A_37 = arith.constant 0 : index
    %get3A_38 = arith.constant 0 : index
    %get3A_39 = vector.load %arg8[%get3A_37, %get3A_38] : memref<128x128xf32, #tpu.memory_space<vmem>>, vector<128x128xf32>
    %dot_general3A_40 = arith.constant dense<0.000000e+00> : vector<2048x128xf32>
    %dot_general3A_41 = tpu.matmul %max3A_30, %get3A_39, %dot_general3A_40 {dimension_numbers = #tpu.dot_dimension_numbers<[1], [1], [0], [0], [0, 0, 1, 0], [], []>, transpose_lhs_hint = false} : vector<2048x128xf32>, vector<128x128xf32>, vector<2048x128xf32> -> vector<2048x128xf32>
    %swap3A_42 = arith.constant 0 : index
    %swap3A_43 = arith.constant 0 : index
    %swap3A_44 = vector.load %arg10[%swap3A_42, %swap3A_43] : memref<2048x128xf32, #tpu.memory_space<vmem>>, vector<2048x128xf32>
    tpu.vector_store %arg10[%swap3A_42, %swap3A_43], %dot_general3A_41 {strides = array<i32>} : memref<2048x128xf32, #tpu.memory_space<vmem>>, vector<2048x128xf32>,
    return
  }
  func.func @transform_0(%arg0: i32) -> (i32, i32) {
    %c0_i32 = arith.constant 0 : i32
    %c0_i32_0 = arith.constant 0 : i32
    return %arg0, %c0_i32 : i32, i32
  }
  func.func @transform_1(%arg0: i32) -> (i32, i32) {
    %c0_i32 = arith.constant 0 : i32
    %c0_i32_0 = arith.constant 0 : i32
    return %arg0, %c0_i32 : i32, i32
  }
  func.func @transform_2(%arg0: i32) -> (i32, i32) {
    %c0_i32 = arith.constant 0 : i32
    %c0_i32_0 = arith.constant 0 : i32
    return %arg0, %c0_i32 : i32, i32
  }
  func.func @transform_3(%arg0: i32) -> (i32, i32) {
    %c0_i32 = arith.constant 0 : i32
    %c0_i32_0 = arith.constant 0 : i32
    return %arg0, %c0_i32 : i32, i32
  }
  func.func @transform_4(%arg0: i32) -> (i32, i32) {
    %c0_i32 = arith.constant 0 : i32
    %c0_i32_0 = arith.constant 0 : i32
    return %arg0, %c0_i32 : i32, i32
  }
  func.func @transform_5(%arg0: i32) -> i32 {
    %c0_i32 = arith.constant 0 : i32
    %c0_i32_0 = arith.constant 0 : i32
    return %c0_i32 : i32
  }
  func.func @transform_6(%arg0: i32) -> (i32, i32) {
    %c0_i32 = arith.constant 0 : i32
    %c0_i32_0 = arith.constant 0 : i32
    %c0_i32_1 = arith.constant 0 : i32
    return %c0_i32, %c0_i32_0 : i32, i32
  }
  func.func @transform_7(%arg0: i32) -> (i32, i32) {
    %c0_i32 = arith.constant 0 : i32
    %c0_i32_0 = arith.constant 0 : i32
    %c0_i32_1 = arith.constant 0 : i32
    return %c0_i32, %c0_i32_0 : i32, i32
  }
  func.func @transform_8(%arg0: i32) -> (i32, i32) {
    %c0_i32 = arith.constant 0 : i32
    %c0_i32_0 = arith.constant 0 : i32
    return %arg0, %c0_i32 : i32, i32
  }
  func.func @transform_9(%arg0: i32) -> (i32, i32) {
    %c0_i32 = arith.constant 0 : i32
    %c0_i32_0 = arith.constant 0 : i32
    return %arg0, %c0_i32 : i32, i32
  }
}

module attributes {stable_mosaic.version = 14 : i64} {
  func.func @_final_body(%arg0: i32, %arg1: memref<2048x128xf32, #tpu.memory_space<vmem>>, %arg2: memref<2048x128xf32, #tpu.memory_space<vmem>>, %arg3: memref<2048x128xf32, #tpu.memory_space<vmem>>, %arg4: memref<2048x128xf32, #tpu.memory_space<vmem>>, %arg5: memref<2048x128xf32, #tpu.memory_space<vmem>>, %arg6: memref<128xf32, #tpu.memory_space<vmem>>, %arg7: memref<2048x128xf32, #tpu.memory_space<vmem>>) attributes {dimension_semantics = [#tpu.dimension_semantics<arbitrary>], iteration_bounds = array<i64: 5>, scalar_prefetch = 0 : i64, scratch_operands = 0 : i64, tpu.core_type = #tpu.core_type<tc>, window_params = [{transform_indices = @transform_0, window_bounds = array<i64: 2048, 128>}, {transform_indices = @transform_1, window_bounds = array<i64: 2048, 128>}, {transform_indices = @transform_2, window_bounds = array<i64: 2048, 128>}, {transform_indices = @transform_3, window_bounds = array<i64: 2048, 128>}, {transform_indices = @transform_4, window_bounds = array<i64: 2048, 128>}, {pipeline_mode = #tpu.pipeline_mode<synchronous>, transform_indices = @transform_5, window_bounds = array<i64: 128>}, {transform_indices = @transform_6, window_bounds = array<i64: 2048, 128>}]} {
    %get3A = arith.constant 0 : index
    %get3A_0 = arith.constant 0 : index
    %get3A_1 = vector.load %arg3[%get3A, %get3A_0] : memref<2048x128xf32, #tpu.memory_space<vmem>>, vector<2048x1xf32>
    %get3A_2 = vector.shape_cast %get3A_1 : vector<2048x1xf32> to vector<2048xf32>
    %get3A_3 = arith.constant 0 : index
    %get3A_4 = arith.constant 0 : index
    %get3A_5 = vector.load %arg4[%get3A_3, %get3A_4] : memref<2048x128xf32, #tpu.memory_space<vmem>>, vector<2048x1xf32>
    %get3A_6 = vector.shape_cast %get3A_5 : vector<2048x1xf32> to vector<2048xf32>
    %add3A = arith.addf %get3A_2, %get3A_6 : vector<2048xf32>
    %max3A = arith.constant 1.000000e+00 : f32
    %max3A_7 = vector.broadcast %max3A : f32 to vector<2048xf32>
    %max3A_8 = arith.maximumf %add3A, %max3A_7 : vector<2048xf32>
    %div3A = arith.constant 1.000000e+00 : f32
    %div3A_9 = vector.broadcast %div3A : f32 to vector<2048xf32>
    %div3A_10 = arith.divf %div3A_9, %max3A_8 : vector<2048xf32>
    %get3A_11 = arith.constant 0 : index
    %get3A_12 = arith.constant 0 : index
    %get3A_13 = vector.load %arg1[%get3A_11, %get3A_12] : memref<2048x128xf32, #tpu.memory_space<vmem>>, vector<2048x128xf32>
    %get3A_14 = arith.constant 0 : index
    %get3A_15 = arith.constant 0 : index
    %get3A_16 = vector.load %arg2[%get3A_14, %get3A_15] : memref<2048x128xf32, #tpu.memory_space<vmem>>, vector<2048x128xf32>
    %add3A_17 = arith.addf %get3A_13, %get3A_16 : vector<2048x128xf32>
    %broadcast_in_dim3A = vector.shape_cast %div3A_10 : vector<2048xf32> to vector<2048x1xf32>
    %mul3A = vector.broadcast %broadcast_in_dim3A : vector<2048x1xf32> to vector<2048x128xf32>
    %mul3A_18 = arith.mulf %add3A_17, %mul3A : vector<2048x128xf32>
    %get3A_19 = arith.constant 0 : index
    %get3A_20 = arith.constant 0 : index
    %get3A_21 = vector.load %arg5[%get3A_19, %get3A_20] : memref<2048x128xf32, #tpu.memory_space<vmem>>, vector<2048x128xf32>
    %add3A_22 = arith.addf %mul3A_18, %get3A_21 : vector<2048x128xf32>
    %get3A_23 = arith.constant 0 : index
    %get3A_24 = vector.load %arg6[%get3A_23] : memref<128xf32, #tpu.memory_space<vmem>>, vector<128xf32>
    %broadcast_in_dim3A_25 = vector.shape_cast %get3A_24 : vector<128xf32> to vector<1x128xf32>
    %add3A_26 = vector.broadcast %broadcast_in_dim3A_25 : vector<1x128xf32> to vector<2048x128xf32>
    %add3A_27 = arith.addf %add3A_22, %add3A_26 : vector<2048x128xf32>
    %swap3A = arith.constant 0 : index
    %swap3A_28 = arith.constant 0 : index
    %swap3A_29 = vector.load %arg7[%swap3A, %swap3A_28] : memref<2048x128xf32, #tpu.memory_space<vmem>>, vector<2048x128xf32>
    tpu.vector_store %arg7[%swap3A, %swap3A_28], %add3A_27 {strides = array<i32>} : memref<2048x128xf32, #tpu.memory_space<vmem>>, vector<2048x128xf32>,
    return
  }
  func.func @transform_0(%arg0: i32) -> (i32, i32) {
    %c0_i32 = arith.constant 0 : i32
    %c0_i32_0 = arith.constant 0 : i32
    return %arg0, %c0_i32 : i32, i32
  }
  func.func @transform_1(%arg0: i32) -> (i32, i32) {
    %c0_i32 = arith.constant 0 : i32
    %c0_i32_0 = arith.constant 0 : i32
    return %arg0, %c0_i32 : i32, i32
  }
  func.func @transform_2(%arg0: i32) -> (i32, i32) {
    %c0_i32 = arith.constant 0 : i32
    %c0_i32_0 = arith.constant 0 : i32
    return %arg0, %c0_i32 : i32, i32
  }
  func.func @transform_3(%arg0: i32) -> (i32, i32) {
    %c0_i32 = arith.constant 0 : i32
    %c0_i32_0 = arith.constant 0 : i32
    return %arg0, %c0_i32 : i32, i32
  }
  func.func @transform_4(%arg0: i32) -> (i32, i32) {
    %c0_i32 = arith.constant 0 : i32
    %c0_i32_0 = arith.constant 0 : i32
    return %arg0, %c0_i32 : i32, i32
  }
  func.func @transform_5(%arg0: i32) -> i32 {
    %c0_i32 = arith.constant 0 : i32
    %c0_i32_0 = arith.constant 0 : i32
    return %c0_i32 : i32
  }
  func.func @transform_6(%arg0: i32) -> (i32, i32) {
    %c0_i32 = arith.constant 0 : i32
    %c0_i32_0 = arith.constant 0 : i32
    return %arg0, %c0_i32 : i32, i32
  }
}

</mosaic_0001>

<sc_bundles>
// kernel: kernel.11.cloned.1.call-start
scs
__scs_entry_jumppad:
0x0: {  	(pc) =	sbr.rel $0x88, $3  }
0x1: {  	(tag) =	ssettag $0x0;
	lr =	simm.s32 $0x1  }
0x2: {  	[smem:$0x3F99] =	sst lr;
	_ =	strace $0xD0000000  }
0x3: {  	_ = 	snop  }
0x4: {  	_ = 	snop  }
0x5: {  	_ = 	snop  }
0x6: {  	_ = 	snop  }
0x7: {  	_ = 	snop  }
__scs_overlays_trampoline_lowered:
0x8: {  	[smem:$0x3FA8] =	sst s0  }
0x9: {  	[smem:$0x3FA9] =	sst s1  }
0xa: {  	[smem:$0x3FAA] =	sst s2  }
0xb: {  	[smem:$0x3FAB] =	sst s3  }
0xc: {  	[smem:$0x3FAC] =	sst s4  }
0xd: {  	[smem:$0x3FAD] =	sst s5  }
0xe: {  	[smem:$0x3FAE] =	sst s6  }
0xf: {  	[smem:$0x3FAF] =	sst s7  }
0x10: {  	[smem:$0x3FB0] =	sst s8  }
0x11: {  	[smem:$0x3FB1] =	sst s9;
	s0 =	simm.s32 @!p0 $0x0  }
0x12: {  	s1 =	sld [smem:$0x3F97];
	s0 =	simm.s32 @p0 $0x1  }
0x13: {  	[smem:$0x3FB2] =	sst s0;
	s0 =	simm.s32 @!p1 $0x0  }
0x14: {  	s2 =	sld [smem:$0x3F96];
	s0 =	simm.s32 @p1 $0x1  }
0x15: {  	[smem:$0x3FB3] =	sst s0;
	s0 =	simm.s32 @!p2 $0x0  }
0x16: {  	s3 =	sld [smem:$0x3FDB];
	s0 =	simm.s32 @p2 $0x1  }
0x17: {  	s4 =	simm.s32 $0x1BF5;
	[smem:$0x3FB5] =	sst s0  }
0x18: {  	s0 =	sld [smem:$0x3F98];
	_ =	swait.ge [sflag:s4], $0x0  }
0x19: {  	s7 =	sld [smem:$0x3F99]  }
0x1a: {  	s8 =	sadd.s32 $0xFFFFE003, lr  }
0x1b: {  	s9 =	sadd.s32 $0xFFFFFEF7, lr;
	s5 =	simm.s32 $0xFFFFFFFF;
	p2 =	slt.u32 s8, $0xFFFFF086  }
0x1c: {  	p1 =	slt.u32 s9, $0xF7A;
	s5 =	simm.s32 @!p2 $0x0  }
0x1d: {  	s5 =	simm.s32 @p1 $0x1;
	p0 =	seq.s32 s7, s2  }
0x1e: {  	s7 =	smul.u32 @!p0 $0xF7A, s2;
	p2 =	seq.s32 @!p0 s5, $0x0  }
0x1f: {  	s9 =	smul.u32 $0xF7A, s1;
	s8 =	simm.s32 @!p0 $0x1BF5;
	p2 =	por !p2, p0  }
0x20: {  	[sflag:s8] =	ssyncset.s32 @!p0 $0xFFFFF086;
	s6 =	sadd.s32 @!p0 s3, s7;
	s7 =	simm.s32 @!p0 $0x108  }
0x21: {  	s3 =	sadd.s32 s3, s9;
	s6 =	sadd.s32 @!p0 $0x88, s6;
	s7 =	simm.s32 @p2 $0x1082  }
0x22: {  	[simem:s7], [sflag:s8] =	dma.local @!p0 [hbm:s6], $0xF7A  }
0x23: {  	s9 =	sor.u32 $0xD0000000, s2;
	s6 =	simm.s32 $0x108;
	_ =	swait.ge @!p0 [sflag:s8], $0x0  }
0x24: {  	s3 =	sadd.s32 $0x88, s3;
	s6 =	simm.s32 @!p1 $0x1082;
	[sflag:s4] =	ssyncset.s32 $0xFFFFF086  }
0x25: {  	[simem:s6], [sflag:s4] =	dma.local [hbm:s3], $0xF7A  }
0x26: {  	[smem:$0x3F99] =	sst s1;
	(tag) =	ssettag s2;
	_ =	strace s9  }
0x27: {  	s1 =	sld [smem:$0x3FA9]  }
0x28: {  	s2 =	sld [smem:$0x3FAA]  }
0x29: {  	s4 =	sld [smem:$0x3FAC]  }
0x2a: {  	p0 =	seq.s32 s5, $0x0;
	s5 =	sld [smem:$0x3FAD]  }
0x2b: {  	s6 =	sld [smem:$0x3FAE]  }
0x2c: {  	s7 =	sld [smem:$0x3FAF]  }
0x2d: {  	s3 =	simm.s32 $0x108;
	s8 =	sld [smem:$0x3FB0]  }
0x2e: {  	s3 =	simm.s32 @!p0 $0x1082;
	s9 =	sld [smem:$0x3FB1]  }
0x2f: {  	lr =	sadd.s32 s0, s3;
	s0 =	sld [smem:$0x3FA8]  }
0x30: {  	s3 =	sld [smem:$0x3FAB]  }
0x31: {  	[smem:$0x3FB4] =	sst s10  }
0x32: {  	s10 =	sld [smem:$0x3FB2];
	_ =	sdelay $0x3  }
0x33: {  	p0 =	seq.s32 s10, $0x1;
	s10 =	sld [smem:$0x3FB4];
	_ =	sdelay $0x3  }
0x34: {  	[smem:$0x3FB4] =	sst s10  }
0x35: {  	s10 =	sld [smem:$0x3FB3];
	_ =	sdelay $0x3  }
0x36: {  	p1 =	seq.s32 s10, $0x1;
	s10 =	sld [smem:$0x3FB4];
	_ =	sdelay $0x3  }
0x37: {  	[smem:$0x3FB4] =	sst s10  }
0x38: {  	s10 =	sld [smem:$0x3FB5]  }
0x39: {  	_ = 	snop;
	(pc) =	sbr.ind lr, $3  }
0x3a: {  	_ = 	snop  }
0x3b: {  	_ = 	snop  }
0x3c: {  	p2 =	seq.s32 s10, $0x1;
	s10 =	sld [smem:$0x3FB4]  }
0x3d: {  	_ =	shalt  }
0x3e: {  	_ =	shalt  }
0x3f: {  	_ =	shalt  }
0x40: {  	_ =	shalt  }
0x41: {  	_ =	shalt  }
0x42: {  	_ =	shalt  }
0x43: {  	_ =	shalt  }
0x44: {  	_ =	shalt  }
0x45: {  	_ =	shalt  }
0x46: {  	_ =	shalt  }
0x47: {  	_ =	shalt  }
0x48: {  	_ =	shalt  }
0x49: {  	_ =	shalt  }
0x4a: {  	_ =	shalt  }
0x4b: {  	_ =	shalt  }
0x4c: {  	_ =	shalt  }
0x4d: {  	_ =	shalt  }
0x4e: {  	_ =	shalt  }
0x4f: {  	_ =	shalt  }
0x50: {  	_ =	shalt  }
0x51: {  	_ =	shalt  }
0x52: {  	_ =	shalt  }
0x53: {  	_ =	shalt  }
0x54: {  	_ =	shalt  }
0x55: {  	_ =	shalt  }
0x56: {  	_ =	shalt  }
0x57: {  	_ =	shalt  }
0x58: {  	_ =	shalt  }
0x59: {  	_ =	shalt  }
0x5a: {  	_ =	shalt  }
0x5b: {  	_ =	shalt  }
0x5c: {  	_ =	shalt  }
0x5d: {  	_ =	shalt  }
0x5e: {  	_ =	shalt  }
0x5f: {  	_ =	shalt  }
0x60: {  	_ =	shalt  }
0x61: {  	_ =	shalt  }
0x62: {  	_ =	shalt  }
0x63: {  	_ =	shalt  }
0x64: {  	_ =	shalt  }
0x65: {  	_ =	shalt  }
0x66: {  	_ =	shalt  }
0x67: {  	_ =	shalt  }
0x68: {  	_ =	shalt  }
0x69: {  	_ =	shalt  }
0x6a: {  	_ =	shalt  }
0x6b: {  	_ =	shalt  }
0x6c: {  	_ =	shalt  }
0x6d: {  	_ =	shalt  }
0x6e: {  	_ =	shalt  }
0x6f: {  	_ =	shalt  }
0x70: {  	_ =	shalt  }
0x71: {  	_ =	shalt  }
0x72: {  	_ =	shalt  }
0x73: {  	_ =	shalt  }
0x74: {  	_ =	shalt  }
0x75: {  	_ =	shalt  }
0x76: {  	_ =	shalt  }
0x77: {  	_ =	shalt  }
0x78: {  	_ =	shalt  }
0x79: {  	_ =	shalt  }
0x7a: {  	_ =	shalt  }
0x7b: {  	_ =	shalt  }
0x7c: {  	_ =	shalt  }
0x7d: {  	_ =	shalt  }
0x7e: {  	_ =	shalt  }
0x7f: {  	_ =	shalt  }
0x80: {  	_ =	shalt  }
0x81: {  	_ =	shalt  }
0x82: {  	_ =	shalt  }
0x83: {  	_ =	shalt  }
0x84: {  	_ =	shalt  }
0x85: {  	_ =	shalt  }
0x86: {  	_ =	shalt  }
0x87: {  	_ =	shalt  }
.Lfunc_end0:
.L_simem_size_0:
called_computation.1_lowered:
.L_overlay_start_0:
0x88: {  	s2 =	sld [smem:$0x3FD9]  }
0x89: {  	s3 =	sld [smem:$0x3FFE];
	_ =	sdelay $0x1  }
0x8a: {  	s1 =	srdreg.scid  }
0x8b: {  	s0 =	sand.u32 $0x1, s1  }
0x8c: {  	s16 =	sshll.u32 s0, $0xA;
	s2 =	sadd.s32 s3, s2  }
0x8d: {  	s2 =	sadd.s32 s2, s16  }
0x8e: {  	[smem:$0x3FC0] =	sst s2  }
0x8f: {  	_ = 	snop  }
0x90: {  	(tm) =	ssettm $0x1  }
0x91: {  	s17 =	sld [smem:$0x3FFB];
	_ =	sdelay $0x3  }
0x92: {  	_ =	strace s17  }
0x93: {  	s2 =	sld [smem:$0x3FFC];
	_ =	sdelay $0x3  }
0x94: {  	_ =	strace s2  }
0x95: {  	s2 =	sld [smem:$0x3FFD];
	_ =	sdelay $0x3  }
0x96: {  	_ =	strace s2  }
0x97: {  	_ =	strace $0x8FFFFFFF  }
0x98: {  	s18 =	sld [smem:$0x3FDB];
	_ =	sdelay $0x1  }
0x99: {  	s19 =	simm.s32 $_scs_section_size  }
0x9a: {  	s4 =	simm.s32 $_size__tile_overlayer_lowered;
	s5 =	simm.s32 $_tile_overlayer_lowered  }
0x9b: {  	s22 =	simm.s32 $0x1BFF;
	s21 =	sshll.u32 s5, $0x1;
	s2 =	sadd.s32 s19, s18  }
0x9c: {  	s6 =	simm.s32 $0x0;
	s20 =	sshll.u32 s4, $0x1;
	s4 =	sadd.s32 s21, s2  }
0x9d: {  	[timem:s6], [sflag:s22] =	dma.local [hbm:s4], s20  }
0x9e: {  	_ =	swait.ge [sflag:s22], s20  }
0x9f: {  	s3 =	ssub.s32 $0x0, s20;
	[sflag:s22] =	ssyncset.done $0x0  }
0xa0: {  	[sflag:s22] =	ssyncadd.s32 s3;
	_ =	sdelay $0x1  }
0xa1: {  	s23 =	simm.s32 $0x1B8B  }
0xa2: {  	_ =	swait.ge [sflag:s23], $0x1  }
0xa3: {  	[sflag:s23] =	ssyncset.done $0x0  }
0xa4: {  	s25 =	simm.s32 $0x1B8E;
	s24 =	sld [smem:$0x3FFE];
	[sflag:s23] =	ssyncadd.s32 $0xFFFFFFFF  }
0xa5: {  	s26 =	simm.s32 $execute0_lowered;
	[smem:$0x3FD2] =	sst s25  }
0xa6: {  	s4 =	sshll.u32 s26, $0x1;
	_ =	strace $0x80000046;
	[dreg:$0x1] =	wrdreg $0xFFFFFFFF  }
0xa7: {  	s28 =	simm.s32 $_size_execute0_lowered;
	s2 =	sadd.s32 s2, s4;
	[dreg:$0x0] =	wrdreg $0x0  }
0xa8: {  	s4 =	sshll.u32 s28, $0x1;
	[dreg:$0x2] =	wrdreg s2  }
0xa9: {  	[dreg:$0x3] =	wrdreg s4  }
0xaa: {  	[dreg:$0x4] =	wrdreg $0xC0  }
0xab: {  	_ =	task [dreg:s6], $0x5FFFF  }
0xac: {  	[dreg:$0x1] =	wrdreg $0xFFFFFFFF  }
0xad: {  	[dreg:$0x0] =	wrdreg $0x60  }
0xae: {  	[dreg:$0x2] =	wrdreg s24  }
0xaf: {  	[dreg:$0x3] =	wrdreg $0x8A000  }
0xb0: {  	[dreg:$0x4] =	wrdreg $0xA  }
0xb1: {  	_ =	task.clear_ibuf [dreg:s6], $0x5FFFF;
	_ =	strace $0x90000046  }
0xb2: {  	s29 =	simm.s32 $0xA;
	_ =	strace $0x80000048  }
0xb3: {  	_ =	swait.ge [sflag:s29], $0x1  }
0xb4: {  	[sflag:s29] =	ssyncadd.s32 $0xFFFFFFFF  }
0xb5: {  	_ =	strace $0x90000048  }
0xb6: {  	_ =	sfence  }
0xb7: {  	s30 =	sld [smem:$0x0];
	_ =	sdelay $0x2  }
0xb8: {  	s31 =	sshll.u32 s1, $0xD;
	s1 =	sshrl.u32 s1, $0x2  }
0xb9: {  	s3 =	sand.u32 $0x4000, s31;
	s1 =	sadd.s32 s1, s30  }
0xba: {  	s0 =	sor.u32 s3, s0;
	s1 =	sshll.u32 s1, $0x11  }
0xbb: {  	s0 =	sor.u32 s1, s0  }
0xbc: {  	s0 =	sadd.s32 $0x8F2B, s0  }
0xbd: {  	[sflag:s0] =	ssyncadd.remote.s32 $0x1  }
0xbe: {  	_ =	sfence.sel $0xFFFF  }
0xbf: {  	[dreg:$0x0] =	wrdreg $0xFFFFFFFF;
	(pc) =	sbr.abs _section_cstart, $3  }
0xc0: {  	[dreg:$0x1] =	wrdreg $0xFFFFFFFF  }
0xc1: {  	_ =	task.clear_ibuf [dreg:s6], $0x2FFFF;
	_ =	strace $0x9FFFFFFF  }
0xc2: {  	(tm) =	ssettm $0x7FFFFFFF  }
0xc3: {  	_ =	shalt  }
tec
execute0_lowered:
.L_overlay_start_1:
0x0: {  	(tag) =	ssettag $0x1  }
0x1: {  	s5 =	rddreg [dreg:$0x0]  }
0x2: {  	s2 =	rddreg [dreg:$0x1];
	s4 =	srdreg.scid  }
0x3: {  	s3 =	simm.s32 $0x0;
	s1 =	stileid.u32;
	s17 =	simm.s32 $0x5  }
0x4: {  	s18 =	simm.s32 $0x80;
	s19 =	simm.s32 $0x3;
	s7 =	smul.u32 $0x2800, s1  }
0x5: {  	s28 =	simm.s32 $0x0;
	s6 =	sand.u32 $0x1, s4;
	s22 =	smul.u32 $0x50000, s1  }
0x6: {  	[smem:$0x7FF] =	sst s3;
	s13 =	sadd.s32 $0xD400, s5;
	s29 =	smul.u32 $0x4F, s1  }
0x7: {  	s14 =	sadd.s32 $0x3400, s5;
	s4 =	sshll.u32 s6, $0x4;
	s8 =	smul.u32 $0x28000, s6  }
0x8: {  	_ =	strace $0x80000047;
	s20 =	ssub.s32 $0x2, s6;
	s24 =	smul.u32 $0x4F0, s6  }
0x9: {  	s9 =	sor.u32 s1, s4;
	s4 =	sadd.s32 $0x17400, s5;
	s21 =	sshrl.u32 s20, $0x1  }
0xa: {  	s25 =	sshrl.u32 s22, $0x2;
	s22 =	simm.s32 $0x180;
	s10 =	smul.u32 $0x2780, s9  }
0xb: {  	s7 =	sadd.s32 s7, s8;
	s9 =	smul.u32 $0x380, s9;
	s15 =	ssub.s32 s20, s21  }
0xc: {  	s30 =	sadd.s32 s29, s24;
	s20 =	simm.s32 $0x200;
	s21 =	simm.s32 $0x100  }
0xd: {  	s24 =	simm.s32 $0x4200;
	s11 =	sadd.s32 s7, s5;
	s5 =	sadd.s32 s25, s2  }
0xe: {  	s16 =	sshll.u32 s30, $0x4;
	s25 =	simm.s32 $0x1;
	s12 =	sand.u32 $0x7FC00, s10  }
0xf: {  	s9 =	sand.u32 $0x380, s9;
	s10 =	sshrl.u32 s10, $0x3;
	s31 =	sadd.s32 $0x30, s16  }
0x10: {  	s23 =	sor.u32 s9, s12;
	s10 =	sadd.s32 $0x10, s10;
	s12 =	sadd.s32 s31, s14  }
0x11: {  	s26 =	sshrl.u32 s23, $0x3;
	s8 =	sadd.s32 s13, s10;
	s9 =	sadd.s32 s14, s10  }
0x12: {  	s10 =	sadd.s32 $0x67400, s11;
	s11 =	smax.u32 s15, $0x1;
	s23 =	simm.s32 $0x4  }
0x13: {  	s6 =	sadd.s32 s13, s26;
	s7 =	sadd.s32 s14, s26;
	s14 =	sadd.s32 s16, s14  }
0x14: {  	s16 =	sadd.s32 s16, s13;
	s13 =	sadd.s32 s31, s13;
	s26 =	simm.s32 $0x2  }
0x15: {  	v0 =	vimm.f32 $0.0e+00;
	s14 =	sadd.s32 $0x20, s14;
	s15 =	sadd.s32 $0x20, s16;
	s16 =	simm.s32 $0x8200  }
.LBB2_1:
0x16: {  	s29 =	simm.s32 $0x0;
	s30 =	simm.s32 $0x0  }
.LBB2_2:
0x17: {  	p0 =	sne.s32 s30, $0x1FC0  }
.Ltmp0:
0x18: {  	_ = 	snop;
	(pc) =	sbr.rel @p0 .LBB2_2-.Ltmp0, $4  }
0x19: {  	s31 =	sand.u32 $0x1E00, s30  }
0x1a: {  	s0 =	sand.u32 $0x70, s29;
	s31 =	sshrl.u32 s31, $0x2  }
0x1b: {  	s0 =	sor.u32 s0, s31  }
0x1c: {  	s29 =	sadd.s32 $0x10, s29;
	s30 =	sadd.s32 $0x40, s30;
	[tilespmem:s0+$0x8200] =	vst v0  }
0x1d: {  	s0 =	sadd.s32 $0x0, s5  }
0x1e: {  	[spmem:s0] =	stream.linear.scatter [tilespmem:s16], [sflag:$0x5], $0x800, $0x38;
	[tilespmem:$0x1CA00] =	vst v63  }
0x1f: {  	s29 =	simm.s32 $0x2000;
	_ =	swait.ge [sflag:s17], $0x800  }
.LBB2_4:
0x20: {  	s0 =	sshra.s32 s29, $0x2;
	[sflag:s17] =	ssyncset.done $0x0;
	p0 =	sne.s32 s29, $0x4E000  }
.Ltmp1:
0x21: {  	s0 =	sadd.s32 s0, s5;
	[sflag:s17] =	ssyncadd.s32 $0xFFFFF800;
	(pc) =	sbr.rel @p0 .LBB2_4-.Ltmp1, $3  }
0x22: {  	[spmem:s0] =	stream.linear.scatter [tilespmem:s16], [sflag:$0x5], $0x800, $0x38;
	[tilespmem:$0x1CA00] =	vst v63  }
0x23: {  	s29 =	sadd.s32 $0x2000, s29;
	_ =	sdelay $0x1  }
0x24: {  	_ =	swait.ge [sflag:s17], $0x800  }
0x25: {  	[sflag:s17] =	ssyncset.done $0x0  }
0x26: {  	[sflag:s17] =	ssyncadd.s32 $0xFFFFF800  }
0x27: {  	s0 =	simm.s32 $0x0;
	[bflag:$0x0] =	sbarrier.arrive $0xFFFF  }
0x28: {  	[tilespmem:s0], [sflag:$0x3] =	stream.linear.gather [hbm4b:s6+s0], $0x80, $0x38;
	[tilespmem:$0x1CA00] =	vst v63  }
0x29: {  	_ = 	snop  }
0x2a: {  	[tilespmem:s18], [sflag:$0x3] =	stream.linear.gather [hbm4b:s7+s0], $0x80, $0x38;
	[tilespmem:$0x1CA00] =	vst v63  }
0x2b: {  	_ =	swait.ge [sflag:s19], $0x80  }
0x2c: {  	[sflag:s19] =	ssyncset.done $0x0  }
0x2d: {  	[sflag:s19] =	ssyncadd.s32 $0xFFFFFF80  }
0x2e: {  	_ =	swait.ge [sflag:s19], $0x80  }
0x2f: {  	[sflag:s19] =	ssyncset.done $0x0  }
0x30: {  	[sflag:s19] =	ssyncadd.s32 $0xFFFFFF80  }
0x31: {  	[tilespmem:s20], [sflag:$0x1] =	stream.indirect.gather [hbm4b:s4+s18], $0x80, s0, s18, $0xb8;
	[tilespmem:$0x1CA00] =	vst v63  }
0x32: {  	_ = 	snop  }
0x33: {  	[tilespmem:s21], [sflag:$0x4] =	stream.linear.gather [hbm4b:s8+s0], $0x80, $0x38;
	[tilespmem:$0x1CA00] =	vst v63  }
0x34: {  	_ = 	snop  }
0x35: {  	[tilespmem:s22], [sflag:$0x4] =	stream.linear.gather [hbm4b:s9+s0], $0x80, $0x38;
	[tilespmem:$0x1CA00] =	vst v63  }
0x36: {  	_ =	swait.ge [sflag:s23], $0x80  }
0x37: {  	[sflag:s23] =	ssyncset.done $0x0  }
0x38: {  	[sflag:s23] =	ssyncadd.s32 $0xFFFFFF80  }
0x39: {  	_ =	swait.ge [sflag:s23], $0x80  }
0x3a: {  	[sflag:s23] =	ssyncset.done $0x0  }
0x3b: {  	[sflag:s23] =	ssyncadd.s32 $0xFFFFFF80  }
0x3c: {  	[tilespmem:s24], [sflag:$0x2] =	stream.indirect.gather [hbm4b:s4+s18], $0x80, s21, s18, $0xb8;
	[tilespmem:$0x1CA00] =	vst v63  }
0x3d: {  	_ =	swait.ge [sflag:s25], $0x4000  }
0x3e: {  	[sflag:s25] =	ssyncset.done $0x0  }
0x3f: {  	[sflag:s25] =	ssyncadd.s32 $0xFFFFC000  }
0x40: {  	[spmem:s2] =	stream.indirect.scatter.add.f32 [tilespmem:s20], [sflag:$0x5], $0x80, s18, s18, $0xb8;
	[tilespmem:$0x1CA00] =	vst v63  }
0x41: {  	_ =	swait.ge [sflag:s17], $0x4000  }
0x42: {  	[sflag:s17] =	ssyncset.done $0x0  }
0x43: {  	s31 =	sadd.s32 $0x0, s15;
	[sflag:s17] =	ssyncadd.s32 $0xFFFFC000  }
0x44: {  	[tilespmem:s3], [sflag:$0x3] =	stream.linear.gather [hbm4b:s31+s3], $0x80, $0x38;
	[tilespmem:$0x1CA00] =	vst v63  }
0x45: {  	s31 =	sadd.s32 $0x0, s14  }
0x46: {  	[tilespmem:s18], [sflag:$0x3] =	stream.linear.gather [hbm4b:s31+s3], $0x80, $0x38;
	[tilespmem:$0x1CA00] =	vst v63  }
0x47: {  	_ =	swait.ge [sflag:s19], $0x80  }
0x48: {  	[sflag:s19] =	ssyncset.done $0x0  }
0x49: {  	[sflag:s19] =	ssyncadd.s32 $0xFFFFFF80  }
0x4a: {  	_ =	swait.ge [sflag:s19], $0x80  }
0x4b: {  	[sflag:s19] =	ssyncset.done $0x0  }
0x4c: {  	[sflag:s19] =	ssyncadd.s32 $0xFFFFFF80  }
0x4d: {  	[tilespmem:s20], [sflag:$0x1] =	stream.indirect.gather [hbm4b:s4+s18], $0x80, s3, s18, $0xb8;
	[tilespmem:$0x1CA00] =	vst v63  }
0x4e: {  	_ =	swait.ge [sflag:s26], $0x4000  }
0x4f: {  	[sflag:s26] =	ssyncset.done $0x0  }
0x50: {  	[sflag:s26] =	ssyncadd.s32 $0xFFFFC000  }
0x51: {  	[spmem:s2] =	stream.indirect.scatter.add.f32 [tilespmem:s24], [sflag:$0x5], $0x80, s22, s18, $0xb8;
	[tilespmem:$0x1CA00] =	vst v63  }
0x52: {  	_ =	swait.ge [sflag:s17], $0x4000  }
0x53: {  	s29 =	simm.s32 $0x20;
	[sflag:s17] =	ssyncset.done $0x0  }
0x54: {  	s30 =	sadd.s32 $0x0, s12;
	s31 =	sadd.s32 $0x0, s13;
	[sflag:s17] =	ssyncadd.s32 $0xFFFFC000  }
0x55: {  	[tilespmem:s21], [sflag:$0x4] =	stream.linear.gather [hbm4b:s31+s3], $0x80, $0x38;
	[tilespmem:$0x1CA00] =	vst v63  }
.LBB2_6:
0x56: {  	[tilespmem:s22], [sflag:$0x4] =	stream.linear.gather [hbm4b:s30+s3], $0x80, $0x38;
	[tilespmem:$0x1CA00] =	vst v63  }
0x57: {  	s30 =	smov.u32 s29  }
0x58: {  	p0 =	sne.s32 s29, $0x4C0;
	s29 =	sadd.s32 $0x20, s29;
	_ =	swait.ge [sflag:s23], $0x80  }
0x59: {  	[sflag:s23] =	ssyncset.done $0x0  }
0x5a: {  	[sflag:s23] =	ssyncadd.s32 $0xFFFFFF80  }
0x5b: {  	_ =	swait.ge [sflag:s23], $0x80  }
0x5c: {  	[sflag:s23] =	ssyncset.done $0x0  }
0x5d: {  	[sflag:s23] =	ssyncadd.s32 $0xFFFFFF80  }
0x5e: {  	[tilespmem:s24], [sflag:$0x2] =	stream.indirect.gather [hbm4b:s4+s18], $0x80, s21, s18, $0xb8;
	[tilespmem:$0x1CA00] =	vst v63  }
0x5f: {  	_ =	swait.ge [sflag:s25], $0x4000  }
0x60: {  	[sflag:s25] =	ssyncset.done $0x0  }
0x61: {  	[sflag:s25] =	ssyncadd.s32 $0xFFFFC000  }
0x62: {  	[spmem:s2] =	stream.indirect.scatter.add.f32 [tilespmem:s20], [sflag:$0x5], $0x80, s18, s18, $0xb8;
	[tilespmem:$0x1CA00] =	vst v63  }
0x63: {  	_ =	swait.ge [sflag:s17], $0x4000  }
0x64: {  	[sflag:s17] =	ssyncset.done $0x0  }
0x65: {  	s0 =	sadd.s32 s30, s15;
	[sflag:s17] =	ssyncadd.s32 $0xFFFFC000  }
0x66: {  	[tilespmem:s3], [sflag:$0x3] =	stream.linear.gather [hbm4b:s0+s3], $0x80, $0x38;
	[tilespmem:$0x1CA00] =	vst v63  }
0x67: {  	s0 =	sadd.s32 s30, s14  }
0x68: {  	[tilespmem:s18], [sflag:$0x3] =	stream.linear.gather [hbm4b:s0+s3], $0x80, $0x38;
	[tilespmem:$0x1CA00] =	vst v63  }
0x69: {  	_ =	swait.ge [sflag:s19], $0x80  }
0x6a: {  	[sflag:s19] =	ssyncset.done $0x0  }
0x6b: {  	[sflag:s19] =	ssyncadd.s32 $0xFFFFFF80  }
0x6c: {  	_ =	swait.ge [sflag:s19], $0x80  }
0x6d: {  	[sflag:s19] =	ssyncset.done $0x0  }
0x6e: {  	[sflag:s19] =	ssyncadd.s32 $0xFFFFFF80  }
0x6f: {  	[tilespmem:s20], [sflag:$0x1] =	stream.indirect.gather [hbm4b:s4+s18], $0x80, s3, s18, $0xb8;
	[tilespmem:$0x1CA00] =	vst v63  }
0x70: {  	_ =	swait.ge [sflag:s26], $0x4000  }
0x71: {  	[sflag:s26] =	ssyncset.done $0x0  }
0x72: {  	[sflag:s26] =	ssyncadd.s32 $0xFFFFC000  }
0x73: {  	[spmem:s2] =	stream.indirect.scatter.add.f32 [tilespmem:s24], [sflag:$0x5], $0x80, s22, s18, $0xb8;
	[tilespmem:$0x1CA00] =	vst v63  }
.Ltmp2:
0x74: {  	_ =	swait.ge [sflag:s17], $0x4000;
	(pc) =	sbr.rel @p0 .LBB2_6-.Ltmp2, $4  }
0x75: {  	[sflag:s17] =	ssyncset.done $0x0  }
0x76: {  	s0 =	sadd.s32 s30, s13;
	[sflag:s17] =	ssyncadd.s32 $0xFFFFC000  }
0x77: {  	[tilespmem:s21], [sflag:$0x4] =	stream.linear.gather [hbm4b:s0+s3], $0x80, $0x38;
	[tilespmem:$0x1CA00] =	vst v63  }
0x78: {  	s30 =	sadd.s32 s30, s12  }
0x79: {  	[tilespmem:s22], [sflag:$0x4] =	stream.linear.gather [hbm4b:s30+s3], $0x80, $0x38;
	[tilespmem:$0x1CA00] =	vst v63  }
0x7a: {  	_ =	swait.ge [sflag:s25], $0x4000  }
0x7b: {  	[sflag:s25] =	ssyncset.done $0x0  }
0x7c: {  	[sflag:s25] =	ssyncadd.s32 $0xFFFFC000  }
0x7d: {  	[spmem:s2] =	stream.indirect.scatter.add.f32 [tilespmem:s20], [sflag:$0x5], $0x80, s18, s18, $0xb8;
	[tilespmem:$0x1CA00] =	vst v63  }
0x7e: {  	_ =	swait.ge [sflag:s17], $0x4000  }
0x7f: {  	[sflag:s17] =	ssyncset.done $0x0  }
0x80: {  	[sflag:s17] =	ssyncadd.s32 $0xFFFFC000  }
0x81: {  	_ =	swait.ge [sflag:s23], $0x80  }
0x82: {  	[sflag:s23] =	ssyncset.done $0x0  }
0x83: {  	[sflag:s23] =	ssyncadd.s32 $0xFFFFFF80  }
0x84: {  	_ =	swait.ge [sflag:s23], $0x80  }
0x85: {  	s0 =	sshll.u32 s1, $0x6;
	s28 =	sadd.s32 $0x1, s28;
	[sflag:s23] =	ssyncset.done $0x0  }
0x86: {  	s29 =	sshrl.u32 s5, $0x3;
	p0 =	sne.s32 s28, s11;
	[sflag:s23] =	ssyncadd.s32 $0xFFFFFF80  }
.Ltmp3:
0x87: {  	s0 =	sor.u32 $0x1C05, s0;
	[bflag:$0x0] =	sbarrier.arrive $0xFFFF;
	(pc) =	sbr.rel @p0 .LBB2_1-.Ltmp3, $4  }
0x88: {  	[hbm:s10], [sflag:s0] =	dma.local [spmem:s29], $0x2800  }
0x89: {  	_ =	swait.ge [sflag:s17], $0x2800  }
0x8a: {  	[sflag:s17] =	ssyncset.done $0x0  }
0x8b: {  	[sflag:s17] =	ssyncadd.s32 $0xFFFFD800  }
0x8c: {  	_ =	sfence.sel $0x180000  }
0x8d: {  	[bflag:$0x0] =	sbarrier.arrive $0xFFFF  }
0x8e: {  	_ =	strace $0x90000047  }
0x8f: {  	[bflag:$0x2] =	sbarrier.arrive $0xFFFF  }
0x90: {  	p0 =	sne.s32 s1, $0x0;
	s0 =	rddreg [dreg:$0x2]  }
0x91: {  	s0 =	sadd.s32 @!p0 $0x100000, s0  }
0x92: {  	[sflag:s0] =	ssyncadd.tile.s32 @!p0 $0x1;
	_ =	shalt  }
.Lfunc_end2:
_tile_overlayer_lowered:
.L_overlay_start_2:
0x93: {  	(tag) =	ssettag $0x2  }
0x94: {  	s0 =	rddreg [dreg:$0x0];
	s2 =	stileid.u32  }
0x95: {  	s1 =	rddreg [dreg:$0x1];
	p0 =	sne.s32 s2, $0x0  }
0x96: {  	s3 =	rddreg [dreg:$0x2];
	[bflag:$0x3] =	sbarrier.arrive $0xFFFF;
	s2 =	simm.s32 @!p0 $0x1C05  }
0x97: {  	[timem:s3], [sflag:s2] =	dma.local @!p0 [hbm:s0], s1  }
0x98: {  	s0 =	simm.s32 @!p0 $0x5  }
0x99: {  	_ =	swait.ge @!p0 [sflag:s0], s1  }
0x9a: {  	s1 =	ssub.s32 @!p0 $0x0, s1;
	[sflag:s0] =	ssyncset.done @!p0 $0x0  }
0x9b: {  	[sflag:s0] =	ssyncadd.s32 @!p0 s1  }
0x9c: {  	[bflag:$0x3] =	sbarrier.arrive $0xFFFF  }
0x9d: {  	_ =	shalt  }

// kernel: kernel.14.cloned.1.call-start
scs
__scs_entry_jumppad:
0x0: {  	(pc) =	sbr.rel $0x88, $3  }
0x1: {  	(tag) =	ssettag $0x0;
	lr =	simm.s32 $0x1  }
0x2: {  	[smem:$0x3F99] =	sst lr;
	_ =	strace $0xD0000000  }
0x3: {  	_ = 	snop  }
0x4: {  	_ = 	snop  }
0x5: {  	_ = 	snop  }
0x6: {  	_ = 	snop  }
0x7: {  	_ = 	snop  }
__scs_overlays_trampoline_lowered:
0x8: {  	[smem:$0x3FA8] =	sst s0  }
0x9: {  	[smem:$0x3FA9] =	sst s1  }
0xa: {  	[smem:$0x3FAA] =	sst s2  }
0xb: {  	[smem:$0x3FAB] =	sst s3  }
0xc: {  	[smem:$0x3FAC] =	sst s4  }
0xd: {  	[smem:$0x3FAD] =	sst s5  }
0xe: {  	[smem:$0x3FAE] =	sst s6  }
0xf: {  	[smem:$0x3FAF] =	sst s7  }
0x10: {  	[smem:$0x3FB0] =	sst s8  }
0x11: {  	[smem:$0x3FB1] =	sst s9;
	s0 =	simm.s32 @!p0 $0x0  }
0x12: {  	s1 =	sld [smem:$0x3F97];
	s0 =	simm.s32 @p0 $0x1  }
0x13: {  	[smem:$0x3FB2] =	sst s0;
	s0 =	simm.s32 @!p1 $0x0  }
0x14: {  	s2 =	sld [smem:$0x3F96];
	s0 =	simm.s32 @p1 $0x1  }
0x15: {  	[smem:$0x3FB3] =	sst s0;
	s0 =	simm.s32 @!p2 $0x0  }
0x16: {  	s3 =	sld [smem:$0x3FDB];
	s0 =	simm.s32 @p2 $0x1  }
0x17: {  	s4 =	simm.s32 $0x1BF5;
	[smem:$0x3FB5] =	sst s0  }
0x18: {  	s0 =	sld [smem:$0x3F98];
	_ =	swait.ge [sflag:s4], $0x0  }
0x19: {  	s7 =	sld [smem:$0x3F99]  }
0x1a: {  	s8 =	sadd.s32 $0xFFFFE003, lr  }
0x1b: {  	s9 =	sadd.s32 $0xFFFFFEF7, lr;
	s5 =	simm.s32 $0xFFFFFFFF;
	p2 =	slt.u32 s8, $0xFFFFF086  }
0x1c: {  	p1 =	slt.u32 s9, $0xF7A;
	s5 =	simm.s32 @!p2 $0x0  }
0x1d: {  	s5 =	simm.s32 @p1 $0x1;
	p0 =	seq.s32 s7, s2  }
0x1e: {  	s7 =	smul.u32 @!p0 $0xF7A, s2;
	p2 =	seq.s32 @!p0 s5, $0x0  }
0x1f: {  	s9 =	smul.u32 $0xF7A, s1;
	s8 =	simm.s32 @!p0 $0x1BF5;
	p2 =	por !p2, p0  }
0x20: {  	[sflag:s8] =	ssyncset.s32 @!p0 $0xFFFFF086;
	s6 =	sadd.s32 @!p0 s3, s7;
	s7 =	simm.s32 @!p0 $0x108  }
0x21: {  	s3 =	sadd.s32 s3, s9;
	s6 =	sadd.s32 @!p0 $0x88, s6;
	s7 =	simm.s32 @p2 $0x1082  }
0x22: {  	[simem:s7], [sflag:s8] =	dma.local @!p0 [hbm:s6], $0xF7A  }
0x23: {  	s9 =	sor.u32 $0xD0000000, s2;
	s6 =	simm.s32 $0x108;
	_ =	swait.ge @!p0 [sflag:s8], $0x0  }
0x24: {  	s3 =	sadd.s32 $0x88, s3;
	s6 =	simm.s32 @!p1 $0x1082;
	[sflag:s4] =	ssyncset.s32 $0xFFFFF086  }
0x25: {  	[simem:s6], [sflag:s4] =	dma.local [hbm:s3], $0xF7A  }
0x26: {  	[smem:$0x3F99] =	sst s1;
	(tag) =	ssettag s2;
	_ =	strace s9  }
0x27: {  	s1 =	sld [smem:$0x3FA9]  }
0x28: {  	s2 =	sld [smem:$0x3FAA]  }
0x29: {  	s4 =	sld [smem:$0x3FAC]  }
0x2a: {  	p0 =	seq.s32 s5, $0x0;
	s5 =	sld [smem:$0x3FAD]  }
0x2b: {  	s6 =	sld [smem:$0x3FAE]  }
0x2c: {  	s7 =	sld [smem:$0x3FAF]  }
0x2d: {  	s3 =	simm.s32 $0x108;
	s8 =	sld [smem:$0x3FB0]  }
0x2e: {  	s3 =	simm.s32 @!p0 $0x1082;
	s9 =	sld [smem:$0x3FB1]  }
0x2f: {  	lr =	sadd.s32 s0, s3;
	s0 =	sld [smem:$0x3FA8]  }
0x30: {  	s3 =	sld [smem:$0x3FAB]  }
0x31: {  	[smem:$0x3FB4] =	sst s10  }
0x32: {  	s10 =	sld [smem:$0x3FB2];
	_ =	sdelay $0x3  }
0x33: {  	p0 =	seq.s32 s10, $0x1;
	s10 =	sld [smem:$0x3FB4];
	_ =	sdelay $0x3  }
0x34: {  	[smem:$0x3FB4] =	sst s10  }
0x35: {  	s10 =	sld [smem:$0x3FB3];
	_ =	sdelay $0x3  }
0x36: {  	p1 =	seq.s32 s10, $0x1;
	s10 =	sld [smem:$0x3FB4];
	_ =	sdelay $0x3  }
0x37: {  	[smem:$0x3FB4] =	sst s10  }
0x38: {  	s10 =	sld [smem:$0x3FB5]  }
0x39: {  	_ = 	snop;
	(pc) =	sbr.ind lr, $3  }
0x3a: {  	_ = 	snop  }
0x3b: {  	_ = 	snop  }
0x3c: {  	p2 =	seq.s32 s10, $0x1;
	s10 =	sld [smem:$0x3FB4]  }
0x3d: {  	_ =	shalt  }
0x3e: {  	_ =	shalt  }
0x3f: {  	_ =	shalt  }
0x40: {  	_ =	shalt  }
0x41: {  	_ =	shalt  }
0x42: {  	_ =	shalt  }
0x43: {  	_ =	shalt  }
0x44: {  	_ =	shalt  }
0x45: {  	_ =	shalt  }
0x46: {  	_ =	shalt  }
0x47: {  	_ =	shalt  }
0x48: {  	_ =	shalt  }
0x49: {  	_ =	shalt  }
0x4a: {  	_ =	shalt  }
0x4b: {  	_ =	shalt  }
0x4c: {  	_ =	shalt  }
0x4d: {  	_ =	shalt  }
0x4e: {  	_ =	shalt  }
0x4f: {  	_ =	shalt  }
0x50: {  	_ =	shalt  }
0x51: {  	_ =	shalt  }
0x52: {  	_ =	shalt  }
0x53: {  	_ =	shalt  }
0x54: {  	_ =	shalt  }
0x55: {  	_ =	shalt  }
0x56: {  	_ =	shalt  }
0x57: {  	_ =	shalt  }
0x58: {  	_ =	shalt  }
0x59: {  	_ =	shalt  }
0x5a: {  	_ =	shalt  }
0x5b: {  	_ =	shalt  }
0x5c: {  	_ =	shalt  }
0x5d: {  	_ =	shalt  }
0x5e: {  	_ =	shalt  }
0x5f: {  	_ =	shalt  }
0x60: {  	_ =	shalt  }
0x61: {  	_ =	shalt  }
0x62: {  	_ =	shalt  }
0x63: {  	_ =	shalt  }
0x64: {  	_ =	shalt  }
0x65: {  	_ =	shalt  }
0x66: {  	_ =	shalt  }
0x67: {  	_ =	shalt  }
0x68: {  	_ =	shalt  }
0x69: {  	_ =	shalt  }
0x6a: {  	_ =	shalt  }
0x6b: {  	_ =	shalt  }
0x6c: {  	_ =	shalt  }
0x6d: {  	_ =	shalt  }
0x6e: {  	_ =	shalt  }
0x6f: {  	_ =	shalt  }
0x70: {  	_ =	shalt  }
0x71: {  	_ =	shalt  }
0x72: {  	_ =	shalt  }
0x73: {  	_ =	shalt  }
0x74: {  	_ =	shalt  }
0x75: {  	_ =	shalt  }
0x76: {  	_ =	shalt  }
0x77: {  	_ =	shalt  }
0x78: {  	_ =	shalt  }
0x79: {  	_ =	shalt  }
0x7a: {  	_ =	shalt  }
0x7b: {  	_ =	shalt  }
0x7c: {  	_ =	shalt  }
0x7d: {  	_ =	shalt  }
0x7e: {  	_ =	shalt  }
0x7f: {  	_ =	shalt  }
0x80: {  	_ =	shalt  }
0x81: {  	_ =	shalt  }
0x82: {  	_ =	shalt  }
0x83: {  	_ =	shalt  }
0x84: {  	_ =	shalt  }
0x85: {  	_ =	shalt  }
0x86: {  	_ =	shalt  }
0x87: {  	_ =	shalt  }
.Lfunc_end0:
.L_simem_size_0:
called_computation.2_lowered:
.L_overlay_start_0:
0x88: {  	s2 =	sld [smem:$0x3FD9]  }
0x89: {  	s3 =	sld [smem:$0x3FFE];
	_ =	sdelay $0x1  }
0x8a: {  	s1 =	srdreg.scid  }
0x8b: {  	s0 =	sand.u32 $0x1, s1  }
0x8c: {  	s16 =	sshll.u32 s0, $0xA;
	s2 =	sadd.s32 s3, s2  }
0x8d: {  	s2 =	sadd.s32 s2, s16  }
0x8e: {  	[smem:$0x3FC0] =	sst s2  }
0x8f: {  	_ = 	snop  }
0x90: {  	(tm) =	ssettm $0x1  }
0x91: {  	s17 =	sld [smem:$0x3FFB];
	_ =	sdelay $0x3  }
0x92: {  	_ =	strace s17  }
0x93: {  	s2 =	sld [smem:$0x3FFC];
	_ =	sdelay $0x3  }
0x94: {  	_ =	strace s2  }
0x95: {  	s2 =	sld [smem:$0x3FFD];
	_ =	sdelay $0x3  }
0x96: {  	_ =	strace s2  }
0x97: {  	_ =	strace $0x8FFFFFFF  }
0x98: {  	s18 =	sld [smem:$0x3FDB];
	_ =	sdelay $0x1  }
0x99: {  	s19 =	simm.s32 $_scs_section_size  }
0x9a: {  	s4 =	simm.s32 $_size__tile_overlayer_lowered;
	s5 =	simm.s32 $_tile_overlayer_lowered  }
0x9b: {  	s22 =	simm.s32 $0x1BFF;
	s21 =	sshll.u32 s5, $0x1;
	s2 =	sadd.s32 s19, s18  }
0x9c: {  	s6 =	simm.s32 $0x0;
	s20 =	sshll.u32 s4, $0x1;
	s4 =	sadd.s32 s21, s2  }
0x9d: {  	[timem:s6], [sflag:s22] =	dma.local [hbm:s4], s20  }
0x9e: {  	_ =	swait.ge [sflag:s22], s20  }
0x9f: {  	s3 =	ssub.s32 $0x0, s20;
	[sflag:s22] =	ssyncset.done $0x0  }
0xa0: {  	[sflag:s22] =	ssyncadd.s32 s3;
	_ =	sdelay $0x1  }
0xa1: {  	s23 =	simm.s32 $0x1B8B  }
0xa2: {  	_ =	swait.ge [sflag:s23], $0x1  }
0xa3: {  	[sflag:s23] =	ssyncset.done $0x0  }
0xa4: {  	s25 =	simm.s32 $0x1B8E;
	s24 =	sld [smem:$0x3FFE];
	[sflag:s23] =	ssyncadd.s32 $0xFFFFFFFF  }
0xa5: {  	s26 =	simm.s32 $execute0_lowered;
	[smem:$0x3FD2] =	sst s25  }
0xa6: {  	s4 =	sshll.u32 s26, $0x1;
	_ =	strace $0x8000004C;
	[dreg:$0x1] =	wrdreg $0xFFFFFFFF  }
0xa7: {  	s28 =	simm.s32 $_size_execute0_lowered;
	s2 =	sadd.s32 s2, s4;
	[dreg:$0x0] =	wrdreg $0x0  }
0xa8: {  	s4 =	sshll.u32 s28, $0x1;
	[dreg:$0x2] =	wrdreg s2  }
0xa9: {  	[dreg:$0x3] =	wrdreg s4  }
0xaa: {  	[dreg:$0x4] =	wrdreg $0xC0  }
0xab: {  	_ =	task [dreg:s6], $0x5FFFF  }
0xac: {  	[dreg:$0x1] =	wrdreg $0xFFFFFFFF  }
0xad: {  	[dreg:$0x0] =	wrdreg $0x60  }
0xae: {  	[dreg:$0x2] =	wrdreg s24  }
0xaf: {  	[dreg:$0x3] =	wrdreg $0x8A000  }
0xb0: {  	[dreg:$0x4] =	wrdreg $0x9  }
0xb1: {  	_ =	task.clear_ibuf [dreg:s6], $0x5FFFF;
	_ =	strace $0x9000004C  }
0xb2: {  	s29 =	simm.s32 $0x9;
	_ =	strace $0x8000004E  }
0xb3: {  	_ =	swait.ge [sflag:s29], $0x1  }
0xb4: {  	[sflag:s29] =	ssyncadd.s32 $0xFFFFFFFF  }
0xb5: {  	_ =	strace $0x9000004E  }
0xb6: {  	_ =	sfence  }
0xb7: {  	s30 =	sld [smem:$0x0];
	_ =	sdelay $0x2  }
0xb8: {  	s31 =	sshll.u32 s1, $0xD;
	s1 =	sshrl.u32 s1, $0x2  }
0xb9: {  	s3 =	sand.u32 $0x4000, s31;
	s1 =	sadd.s32 s1, s30  }
0xba: {  	s0 =	sor.u32 s3, s0;
	s1 =	sshll.u32 s1, $0x11  }
0xbb: {  	s0 =	sor.u32 s1, s0  }
0xbc: {  	s0 =	sadd.s32 $0x8F2B, s0  }
0xbd: {  	[sflag:s0] =	ssyncadd.remote.s32 $0x1  }
0xbe: {  	_ =	sfence.sel $0xFFFF  }
0xbf: {  	[dreg:$0x0] =	wrdreg $0xFFFFFFFF;
	(pc) =	sbr.abs _section_cstart, $3  }
0xc0: {  	[dreg:$0x1] =	wrdreg $0xFFFFFFFF  }
0xc1: {  	_ =	task.clear_ibuf [dreg:s6], $0x2FFFF;
	_ =	strace $0x9FFFFFFF  }
0xc2: {  	(tm) =	ssettm $0x7FFFFFFF  }
0xc3: {  	_ =	shalt  }
tec
execute0_lowered:
.L_overlay_start_1:
0x0: {  	(tag) =	ssettag $0x1  }
0x1: {  	s5 =	rddreg [dreg:$0x0]  }
0x2: {  	s2 =	rddreg [dreg:$0x1];
	s4 =	srdreg.scid  }
0x3: {  	s3 =	simm.s32 $0x0;
	s1 =	stileid.u32;
	s17 =	simm.s32 $0x5  }
0x4: {  	s18 =	simm.s32 $0x80;
	s19 =	simm.s32 $0x3;
	s7 =	smul.u32 $0x2800, s1  }
0x5: {  	s28 =	simm.s32 $0x0;
	s6 =	sand.u32 $0x1, s4;
	s22 =	smul.u32 $0x50000, s1  }
0x6: {  	[smem:$0x7FF] =	sst s3;
	s13 =	sadd.s32 $0xD400, s5;
	s29 =	smul.u32 $0x4F, s1  }
0x7: {  	s14 =	sadd.s32 $0x3400, s5;
	s4 =	sshll.u32 s6, $0x4;
	s8 =	smul.u32 $0x28000, s6  }
0x8: {  	_ =	strace $0x8000004D;
	s20 =	ssub.s32 $0x2, s6;
	s24 =	smul.u32 $0x4F0, s6  }
0x9: {  	s9 =	sor.u32 s1, s4;
	s4 =	sadd.s32 $0x3F400, s5;
	s21 =	sshrl.u32 s20, $0x1  }
0xa: {  	s25 =	sshrl.u32 s22, $0x2;
	s22 =	simm.s32 $0x180;
	s10 =	smul.u32 $0x2780, s9  }
0xb: {  	s7 =	sadd.s32 s7, s8;
	s9 =	smul.u32 $0x380, s9;
	s15 =	ssub.s32 s20, s21  }
0xc: {  	s30 =	sadd.s32 s29, s24;
	s20 =	simm.s32 $0x200;
	s21 =	simm.s32 $0x100  }
0xd: {  	s24 =	simm.s32 $0x4200;
	s11 =	sadd.s32 s7, s5;
	s5 =	sadd.s32 s25, s2  }
0xe: {  	s16 =	sshll.u32 s30, $0x4;
	s25 =	simm.s32 $0x1;
	s12 =	sand.u32 $0x7FC00, s10  }
0xf: {  	s9 =	sand.u32 $0x380, s9;
	s10 =	sshrl.u32 s10, $0x3;
	s31 =	sadd.s32 $0x30, s16  }
0x10: {  	s23 =	sor.u32 s9, s12;
	s10 =	sadd.s32 $0x10, s10;
	s12 =	sadd.s32 s31, s14  }
0x11: {  	s26 =	sshrl.u32 s23, $0x3;
	s8 =	sadd.s32 s13, s10;
	s9 =	sadd.s32 s14, s10  }
0x12: {  	s10 =	sadd.s32 $0xB7400, s11;
	s11 =	smax.u32 s15, $0x1;
	s23 =	simm.s32 $0x4  }
0x13: {  	s6 =	sadd.s32 s13, s26;
	s7 =	sadd.s32 s14, s26;
	s14 =	sadd.s32 s16, s14  }
0x14: {  	s16 =	sadd.s32 s16, s13;
	s13 =	sadd.s32 s31, s13;
	s26 =	simm.s32 $0x2  }
0x15: {  	v0 =	vimm.f32 $0.0e+00;
	s14 =	sadd.s32 $0x20, s14;
	s15 =	sadd.s32 $0x20, s16;
	s16 =	simm.s32 $0x8200  }
.LBB2_1:
0x16: {  	s29 =	simm.s32 $0x0;
	s30 =	simm.s32 $0x0  }
.LBB2_2:
0x17: {  	p0 =	sne.s32 s30, $0x1FC0  }
.Ltmp0:
0x18: {  	_ = 	snop;
	(pc) =	sbr.rel @p0 .LBB2_2-.Ltmp0, $4  }
0x19: {  	s31 =	sand.u32 $0x1E00, s30  }
0x1a: {  	s0 =	sand.u32 $0x70, s29;
	s31 =	sshrl.u32 s31, $0x2  }
0x1b: {  	s0 =	sor.u32 s0, s31  }
0x1c: {  	s29 =	sadd.s32 $0x10, s29;
	s30 =	sadd.s32 $0x40, s30;
	[tilespmem:s0+$0x8200] =	vst v0  }
0x1d: {  	s0 =	sadd.s32 $0x0, s5  }
0x1e: {  	[spmem:s0] =	stream.linear.scatter [tilespmem:s16], [sflag:$0x5], $0x800, $0x38;
	[tilespmem:$0x1CA00] =	vst v63  }
0x1f: {  	s29 =	simm.s32 $0x2000;
	_ =	swait.ge [sflag:s17], $0x800  }
.LBB2_4:
0x20: {  	s0 =	sshra.s32 s29, $0x2;
	[sflag:s17] =	ssyncset.done $0x0;
	p0 =	sne.s32 s29, $0x4E000  }
.Ltmp1:
0x21: {  	s0 =	sadd.s32 s0, s5;
	[sflag:s17] =	ssyncadd.s32 $0xFFFFF800;
	(pc) =	sbr.rel @p0 .LBB2_4-.Ltmp1, $3  }
0x22: {  	[spmem:s0] =	stream.linear.scatter [tilespmem:s16], [sflag:$0x5], $0x800, $0x38;
	[tilespmem:$0x1CA00] =	vst v63  }
0x23: {  	s29 =	sadd.s32 $0x2000, s29;
	_ =	sdelay $0x1  }
0x24: {  	_ =	swait.ge [sflag:s17], $0x800  }
0x25: {  	[sflag:s17] =	ssyncset.done $0x0  }
0x26: {  	[sflag:s17] =	ssyncadd.s32 $0xFFFFF800  }
0x27: {  	s0 =	simm.s32 $0x0;
	[bflag:$0x0] =	sbarrier.arrive $0xFFFF  }
0x28: {  	[tilespmem:s0], [sflag:$0x3] =	stream.linear.gather [hbm4b:s6+s0], $0x80, $0x38;
	[tilespmem:$0x1CA00] =	vst v63  }
0x29: {  	_ = 	snop  }
0x2a: {  	[tilespmem:s18], [sflag:$0x3] =	stream.linear.gather [hbm4b:s7+s0], $0x80, $0x38;
	[tilespmem:$0x1CA00] =	vst v63  }
0x2b: {  	_ =	swait.ge [sflag:s19], $0x80  }
0x2c: {  	[sflag:s19] =	ssyncset.done $0x0  }
0x2d: {  	[sflag:s19] =	ssyncadd.s32 $0xFFFFFF80  }
0x2e: {  	_ =	swait.ge [sflag:s19], $0x80  }
0x2f: {  	[sflag:s19] =	ssyncset.done $0x0  }
0x30: {  	[sflag:s19] =	ssyncadd.s32 $0xFFFFFF80  }
0x31: {  	[tilespmem:s20], [sflag:$0x1] =	stream.indirect.gather [hbm4b:s4+s18], $0x80, s0, s18, $0xb8;
	[tilespmem:$0x1CA00] =	vst v63  }
0x32: {  	_ = 	snop  }
0x33: {  	[tilespmem:s21], [sflag:$0x4] =	stream.linear.gather [hbm4b:s8+s0], $0x80, $0x38;
	[tilespmem:$0x1CA00] =	vst v63  }
0x34: {  	_ = 	snop  }
0x35: {  	[tilespmem:s22], [sflag:$0x4] =	stream.linear.gather [hbm4b:s9+s0], $0x80, $0x38;
	[tilespmem:$0x1CA00] =	vst v63  }
0x36: {  	_ =	swait.ge [sflag:s23], $0x80  }
0x37: {  	[sflag:s23] =	ssyncset.done $0x0  }
0x38: {  	[sflag:s23] =	ssyncadd.s32 $0xFFFFFF80  }
0x39: {  	_ =	swait.ge [sflag:s23], $0x80  }
0x3a: {  	[sflag:s23] =	ssyncset.done $0x0  }
0x3b: {  	[sflag:s23] =	ssyncadd.s32 $0xFFFFFF80  }
0x3c: {  	[tilespmem:s24], [sflag:$0x2] =	stream.indirect.gather [hbm4b:s4+s18], $0x80, s21, s18, $0xb8;
	[tilespmem:$0x1CA00] =	vst v63  }
0x3d: {  	_ =	swait.ge [sflag:s25], $0x4000  }
0x3e: {  	[sflag:s25] =	ssyncset.done $0x0  }
0x3f: {  	[sflag:s25] =	ssyncadd.s32 $0xFFFFC000  }
0x40: {  	[spmem:s2] =	stream.indirect.scatter.add.f32 [tilespmem:s20], [sflag:$0x5], $0x80, s18, s18, $0xb8;
	[tilespmem:$0x1CA00] =	vst v63  }
0x41: {  	_ =	swait.ge [sflag:s17], $0x4000  }
0x42: {  	[sflag:s17] =	ssyncset.done $0x0  }
0x43: {  	s31 =	sadd.s32 $0x0, s15;
	[sflag:s17] =	ssyncadd.s32 $0xFFFFC000  }
0x44: {  	[tilespmem:s3], [sflag:$0x3] =	stream.linear.gather [hbm4b:s31+s3], $0x80, $0x38;
	[tilespmem:$0x1CA00] =	vst v63  }
0x45: {  	s31 =	sadd.s32 $0x0, s14  }
0x46: {  	[tilespmem:s18], [sflag:$0x3] =	stream.linear.gather [hbm4b:s31+s3], $0x80, $0x38;
	[tilespmem:$0x1CA00] =	vst v63  }
0x47: {  	_ =	swait.ge [sflag:s19], $0x80  }
0x48: {  	[sflag:s19] =	ssyncset.done $0x0  }
0x49: {  	[sflag:s19] =	ssyncadd.s32 $0xFFFFFF80  }
0x4a: {  	_ =	swait.ge [sflag:s19], $0x80  }
0x4b: {  	[sflag:s19] =	ssyncset.done $0x0  }
0x4c: {  	[sflag:s19] =	ssyncadd.s32 $0xFFFFFF80  }
0x4d: {  	[tilespmem:s20], [sflag:$0x1] =	stream.indirect.gather [hbm4b:s4+s18], $0x80, s3, s18, $0xb8;
	[tilespmem:$0x1CA00] =	vst v63  }
0x4e: {  	_ =	swait.ge [sflag:s26], $0x4000  }
0x4f: {  	[sflag:s26] =	ssyncset.done $0x0  }
0x50: {  	[sflag:s26] =	ssyncadd.s32 $0xFFFFC000  }
0x51: {  	[spmem:s2] =	stream.indirect.scatter.add.f32 [tilespmem:s24], [sflag:$0x5], $0x80, s22, s18, $0xb8;
	[tilespmem:$0x1CA00] =	vst v63  }
0x52: {  	_ =	swait.ge [sflag:s17], $0x4000  }
0x53: {  	s29 =	simm.s32 $0x20;
	[sflag:s17] =	ssyncset.done $0x0  }
0x54: {  	s30 =	sadd.s32 $0x0, s12;
	s31 =	sadd.s32 $0x0, s13;
	[sflag:s17] =	ssyncadd.s32 $0xFFFFC000  }
0x55: {  	[tilespmem:s21], [sflag:$0x4] =	stream.linear.gather [hbm4b:s31+s3], $0x80, $0x38;
	[tilespmem:$0x1CA00] =	vst v63  }
.LBB2_6:
0x56: {  	[tilespmem:s22], [sflag:$0x4] =	stream.linear.gather [hbm4b:s30+s3], $0x80, $0x38;
	[tilespmem:$0x1CA00] =	vst v63  }
0x57: {  	s30 =	smov.u32 s29  }
0x58: {  	p0 =	sne.s32 s29, $0x4C0;
	s29 =	sadd.s32 $0x20, s29;
	_ =	swait.ge [sflag:s23], $0x80  }
0x59: {  	[sflag:s23] =	ssyncset.done $0x0  }
0x5a: {  	[sflag:s23] =	ssyncadd.s32 $0xFFFFFF80  }
0x5b: {  	_ =	swait.ge [sflag:s23], $0x80  }
0x5c: {  	[sflag:s23] =	ssyncset.done $0x0  }
0x5d: {  	[sflag:s23] =	ssyncadd.s32 $0xFFFFFF80  }
0x5e: {  	[tilespmem:s24], [sflag:$0x2] =	stream.indirect.gather [hbm4b:s4+s18], $0x80, s21, s18, $0xb8;
	[tilespmem:$0x1CA00] =	vst v63  }
0x5f: {  	_ =	swait.ge [sflag:s25], $0x4000  }
0x60: {  	[sflag:s25] =	ssyncset.done $0x0  }
0x61: {  	[sflag:s25] =	ssyncadd.s32 $0xFFFFC000  }
0x62: {  	[spmem:s2] =	stream.indirect.scatter.add.f32 [tilespmem:s20], [sflag:$0x5], $0x80, s18, s18, $0xb8;
	[tilespmem:$0x1CA00] =	vst v63  }
0x63: {  	_ =	swait.ge [sflag:s17], $0x4000  }
0x64: {  	[sflag:s17] =	ssyncset.done $0x0  }
0x65: {  	s0 =	sadd.s32 s30, s15;
	[sflag:s17] =	ssyncadd.s32 $0xFFFFC000  }
0x66: {  	[tilespmem:s3], [sflag:$0x3] =	stream.linear.gather [hbm4b:s0+s3], $0x80, $0x38;
	[tilespmem:$0x1CA00] =	vst v63  }
0x67: {  	s0 =	sadd.s32 s30, s14  }
0x68: {  	[tilespmem:s18], [sflag:$0x3] =	stream.linear.gather [hbm4b:s0+s3], $0x80, $0x38;
	[tilespmem:$0x1CA00] =	vst v63  }
0x69: {  	_ =	swait.ge [sflag:s19], $0x80  }
0x6a: {  	[sflag:s19] =	ssyncset.done $0x0  }
0x6b: {  	[sflag:s19] =	ssyncadd.s32 $0xFFFFFF80  }
0x6c: {  	_ =	swait.ge [sflag:s19], $0x80  }
0x6d: {  	[sflag:s19] =	ssyncset.done $0x0  }
0x6e: {  	[sflag:s19] =	ssyncadd.s32 $0xFFFFFF80  }
0x6f: {  	[tilespmem:s20], [sflag:$0x1] =	stream.indirect.gather [hbm4b:s4+s18], $0x80, s3, s18, $0xb8;
	[tilespmem:$0x1CA00] =	vst v63  }
0x70: {  	_ =	swait.ge [sflag:s26], $0x4000  }
0x71: {  	[sflag:s26] =	ssyncset.done $0x0  }
0x72: {  	[sflag:s26] =	ssyncadd.s32 $0xFFFFC000  }
0x73: {  	[spmem:s2] =	stream.indirect.scatter.add.f32 [tilespmem:s24], [sflag:$0x5], $0x80, s22, s18, $0xb8;
	[tilespmem:$0x1CA00] =	vst v63  }
.Ltmp2:
0x74: {  	_ =	swait.ge [sflag:s17], $0x4000;
	(pc) =	sbr.rel @p0 .LBB2_6-.Ltmp2, $4  }
0x75: {  	[sflag:s17] =	ssyncset.done $0x0  }
0x76: {  	s0 =	sadd.s32 s30, s13;
	[sflag:s17] =	ssyncadd.s32 $0xFFFFC000  }
0x77: {  	[tilespmem:s21], [sflag:$0x4] =	stream.linear.gather [hbm4b:s0+s3], $0x80, $0x38;
	[tilespmem:$0x1CA00] =	vst v63  }
0x78: {  	s30 =	sadd.s32 s30, s12  }
0x79: {  	[tilespmem:s22], [sflag:$0x4] =	stream.linear.gather [hbm4b:s30+s3], $0x80, $0x38;
	[tilespmem:$0x1CA00] =	vst v63  }
0x7a: {  	_ =	swait.ge [sflag:s25], $0x4000  }
0x7b: {  	[sflag:s25] =	ssyncset.done $0x0  }
0x7c: {  	[sflag:s25] =	ssyncadd.s32 $0xFFFFC000  }
0x7d: {  	[spmem:s2] =	stream.indirect.scatter.add.f32 [tilespmem:s20], [sflag:$0x5], $0x80, s18, s18, $0xb8;
	[tilespmem:$0x1CA00] =	vst v63  }
0x7e: {  	_ =	swait.ge [sflag:s17], $0x4000  }
0x7f: {  	[sflag:s17] =	ssyncset.done $0x0  }
0x80: {  	[sflag:s17] =	ssyncadd.s32 $0xFFFFC000  }
0x81: {  	_ =	swait.ge [sflag:s23], $0x80  }
0x82: {  	[sflag:s23] =	ssyncset.done $0x0  }
0x83: {  	[sflag:s23] =	ssyncadd.s32 $0xFFFFFF80  }
0x84: {  	_ =	swait.ge [sflag:s23], $0x80  }
0x85: {  	s0 =	sshll.u32 s1, $0x6;
	s28 =	sadd.s32 $0x1, s28;
	[sflag:s23] =	ssyncset.done $0x0  }
0x86: {  	s29 =	sshrl.u32 s5, $0x3;
	p0 =	sne.s32 s28, s11;
	[sflag:s23] =	ssyncadd.s32 $0xFFFFFF80  }
.Ltmp3:
0x87: {  	s0 =	sor.u32 $0x1C05, s0;
	[bflag:$0x0] =	sbarrier.arrive $0xFFFF;
	(pc) =	sbr.rel @p0 .LBB2_1-.Ltmp3, $4  }
0x88: {  	[hbm:s10], [sflag:s0] =	dma.local [spmem:s29], $0x2800  }
0x89: {  	_ =	swait.ge [sflag:s17], $0x2800  }
0x8a: {  	[sflag:s17] =	ssyncset.done $0x0  }
0x8b: {  	[sflag:s17] =	ssyncadd.s32 $0xFFFFD800  }
0x8c: {  	_ =	sfence.sel $0x180000  }
0x8d: {  	[bflag:$0x0] =	sbarrier.arrive $0xFFFF  }
0x8e: {  	_ =	strace $0x9000004D  }
0x8f: {  	[bflag:$0x2] =	sbarrier.arrive $0xFFFF  }
0x90: {  	p0 =	sne.s32 s1, $0x0;
	s0 =	rddreg [dreg:$0x2]  }
0x91: {  	s0 =	sadd.s32 @!p0 $0x100000, s0  }
0x92: {  	[sflag:s0] =	ssyncadd.tile.s32 @!p0 $0x1;
	_ =	shalt  }
.Lfunc_end2:
_tile_overlayer_lowered:
.L_overlay_start_2:
0x93: {  	(tag) =	ssettag $0x2  }
0x94: {  	s0 =	rddreg [dreg:$0x0];
	s2 =	stileid.u32  }
0x95: {  	s1 =	rddreg [dreg:$0x1];
	p0 =	sne.s32 s2, $0x0  }
0x96: {  	s3 =	rddreg [dreg:$0x2];
	[bflag:$0x3] =	sbarrier.arrive $0xFFFF;
	s2 =	simm.s32 @!p0 $0x1C05  }
0x97: {  	[timem:s3], [sflag:s2] =	dma.local @!p0 [hbm:s0], s1  }
0x98: {  	s0 =	simm.s32 @!p0 $0x5  }
0x99: {  	_ =	swait.ge @!p0 [sflag:s0], s1  }
0x9a: {  	s1 =	ssub.s32 @!p0 $0x0, s1;
	[sflag:s0] =	ssyncset.done @!p0 $0x0  }
0x9b: {  	[sflag:s0] =	ssyncadd.s32 @!p0 s1  }
0x9c: {  	[bflag:$0x3] =	sbarrier.arrive $0xFFFF  }
0x9d: {  	_ =	shalt  }

// kernel: kernel.8.cloned.1.call-start
scs
__scs_entry_jumppad:
0x0: {  	(pc) =	sbr.rel $0x88, $3  }
0x1: {  	(tag) =	ssettag $0x0;
	lr =	simm.s32 $0x1  }
0x2: {  	[smem:$0x3F99] =	sst lr;
	_ =	strace $0xD0000000  }
0x3: {  	_ = 	snop  }
0x4: {  	_ = 	snop  }
0x5: {  	_ = 	snop  }
0x6: {  	_ = 	snop  }
0x7: {  	_ = 	snop  }
__scs_overlays_trampoline_lowered:
0x8: {  	[smem:$0x3FA8] =	sst s0  }
0x9: {  	[smem:$0x3FA9] =	sst s1  }
0xa: {  	[smem:$0x3FAA] =	sst s2  }
0xb: {  	[smem:$0x3FAB] =	sst s3  }
0xc: {  	[smem:$0x3FAC] =	sst s4  }
0xd: {  	[smem:$0x3FAD] =	sst s5  }
0xe: {  	[smem:$0x3FAE] =	sst s6  }
0xf: {  	[smem:$0x3FAF] =	sst s7  }
0x10: {  	[smem:$0x3FB0] =	sst s8  }
0x11: {  	[smem:$0x3FB1] =	sst s9;
	s0 =	simm.s32 @!p0 $0x0  }
0x12: {  	s1 =	sld [smem:$0x3F97];
	s0 =	simm.s32 @p0 $0x1  }
0x13: {  	[smem:$0x3FB2] =	sst s0;
	s0 =	simm.s32 @!p1 $0x0  }
0x14: {  	s2 =	sld [smem:$0x3F96];
	s0 =	simm.s32 @p1 $0x1  }
0x15: {  	[smem:$0x3FB3] =	sst s0;
	s0 =	simm.s32 @!p2 $0x0  }
0x16: {  	s3 =	sld [smem:$0x3FDB];
	s0 =	simm.s32 @p2 $0x1  }
0x17: {  	s4 =	simm.s32 $0x1BF5;
	[smem:$0x3FB5] =	sst s0  }
0x18: {  	s0 =	sld [smem:$0x3F98];
	_ =	swait.ge [sflag:s4], $0x0  }
0x19: {  	s7 =	sld [smem:$0x3F99]  }
0x1a: {  	s8 =	sadd.s32 $0xFFFFE003, lr  }
0x1b: {  	s9 =	sadd.s32 $0xFFFFFEF7, lr;
	s5 =	simm.s32 $0xFFFFFFFF;
	p2 =	slt.u32 s8, $0xFFFFF086  }
0x1c: {  	p1 =	slt.u32 s9, $0xF7A;
	s5 =	simm.s32 @!p2 $0x0  }
0x1d: {  	s5 =	simm.s32 @p1 $0x1;
	p0 =	seq.s32 s7, s2  }
0x1e: {  	s7 =	smul.u32 @!p0 $0xF7A, s2;
	p2 =	seq.s32 @!p0 s5, $0x0  }
0x1f: {  	s9 =	smul.u32 $0xF7A, s1;
	s8 =	simm.s32 @!p0 $0x1BF5;
	p2 =	por !p2, p0  }
0x20: {  	[sflag:s8] =	ssyncset.s32 @!p0 $0xFFFFF086;
	s6 =	sadd.s32 @!p0 s3, s7;
	s7 =	simm.s32 @!p0 $0x108  }
0x21: {  	s3 =	sadd.s32 s3, s9;
	s6 =	sadd.s32 @!p0 $0x88, s6;
	s7 =	simm.s32 @p2 $0x1082  }
0x22: {  	[simem:s7], [sflag:s8] =	dma.local @!p0 [hbm:s6], $0xF7A  }
0x23: {  	s9 =	sor.u32 $0xD0000000, s2;
	s6 =	simm.s32 $0x108;
	_ =	swait.ge @!p0 [sflag:s8], $0x0  }
0x24: {  	s3 =	sadd.s32 $0x88, s3;
	s6 =	simm.s32 @!p1 $0x1082;
	[sflag:s4] =	ssyncset.s32 $0xFFFFF086  }
0x25: {  	[simem:s6], [sflag:s4] =	dma.local [hbm:s3], $0xF7A  }
0x26: {  	[smem:$0x3F99] =	sst s1;
	(tag) =	ssettag s2;
	_ =	strace s9  }
0x27: {  	s1 =	sld [smem:$0x3FA9]  }
0x28: {  	s2 =	sld [smem:$0x3FAA]  }
0x29: {  	s4 =	sld [smem:$0x3FAC]  }
0x2a: {  	p0 =	seq.s32 s5, $0x0;
	s5 =	sld [smem:$0x3FAD]  }
0x2b: {  	s6 =	sld [smem:$0x3FAE]  }
0x2c: {  	s7 =	sld [smem:$0x3FAF]  }
0x2d: {  	s3 =	simm.s32 $0x108;
	s8 =	sld [smem:$0x3FB0]  }
0x2e: {  	s3 =	simm.s32 @!p0 $0x1082;
	s9 =	sld [smem:$0x3FB1]  }
0x2f: {  	lr =	sadd.s32 s0, s3;
	s0 =	sld [smem:$0x3FA8]  }
0x30: {  	s3 =	sld [smem:$0x3FAB]  }
0x31: {  	[smem:$0x3FB4] =	sst s10  }
0x32: {  	s10 =	sld [smem:$0x3FB2];
	_ =	sdelay $0x3  }
0x33: {  	p0 =	seq.s32 s10, $0x1;
	s10 =	sld [smem:$0x3FB4];
	_ =	sdelay $0x3  }
0x34: {  	[smem:$0x3FB4] =	sst s10  }
0x35: {  	s10 =	sld [smem:$0x3FB3];
	_ =	sdelay $0x3  }
0x36: {  	p1 =	seq.s32 s10, $0x1;
	s10 =	sld [smem:$0x3FB4];
	_ =	sdelay $0x3  }
0x37: {  	[smem:$0x3FB4] =	sst s10  }
0x38: {  	s10 =	sld [smem:$0x3FB5]  }
0x39: {  	_ = 	snop;
	(pc) =	sbr.ind lr, $3  }
0x3a: {  	_ = 	snop  }
0x3b: {  	_ = 	snop  }
0x3c: {  	p2 =	seq.s32 s10, $0x1;
	s10 =	sld [smem:$0x3FB4]  }
0x3d: {  	_ =	shalt  }
0x3e: {  	_ =	shalt  }
0x3f: {  	_ =	shalt  }
0x40: {  	_ =	shalt  }
0x41: {  	_ =	shalt  }
0x42: {  	_ =	shalt  }
0x43: {  	_ =	shalt  }
0x44: {  	_ =	shalt  }
0x45: {  	_ =	shalt  }
0x46: {  	_ =	shalt  }
0x47: {  	_ =	shalt  }
0x48: {  	_ =	shalt  }
0x49: {  	_ =	shalt  }
0x4a: {  	_ =	shalt  }
0x4b: {  	_ =	shalt  }
0x4c: {  	_ =	shalt  }
0x4d: {  	_ =	shalt  }
0x4e: {  	_ =	shalt  }
0x4f: {  	_ =	shalt  }
0x50: {  	_ =	shalt  }
0x51: {  	_ =	shalt  }
0x52: {  	_ =	shalt  }
0x53: {  	_ =	shalt  }
0x54: {  	_ =	shalt  }
0x55: {  	_ =	shalt  }
0x56: {  	_ =	shalt  }
0x57: {  	_ =	shalt  }
0x58: {  	_ =	shalt  }
0x59: {  	_ =	shalt  }
0x5a: {  	_ =	shalt  }
0x5b: {  	_ =	shalt  }
0x5c: {  	_ =	shalt  }
0x5d: {  	_ =	shalt  }
0x5e: {  	_ =	shalt  }
0x5f: {  	_ =	shalt  }
0x60: {  	_ =	shalt  }
0x61: {  	_ =	shalt  }
0x62: {  	_ =	shalt  }
0x63: {  	_ =	shalt  }
0x64: {  	_ =	shalt  }
0x65: {  	_ =	shalt  }
0x66: {  	_ =	shalt  }
0x67: {  	_ =	shalt  }
0x68: {  	_ =	shalt  }
0x69: {  	_ =	shalt  }
0x6a: {  	_ =	shalt  }
0x6b: {  	_ =	shalt  }
0x6c: {  	_ =	shalt  }
0x6d: {  	_ =	shalt  }
0x6e: {  	_ =	shalt  }
0x6f: {  	_ =	shalt  }
0x70: {  	_ =	shalt  }
0x71: {  	_ =	shalt  }
0x72: {  	_ =	shalt  }
0x73: {  	_ =	shalt  }
0x74: {  	_ =	shalt  }
0x75: {  	_ =	shalt  }
0x76: {  	_ =	shalt  }
0x77: {  	_ =	shalt  }
0x78: {  	_ =	shalt  }
0x79: {  	_ =	shalt  }
0x7a: {  	_ =	shalt  }
0x7b: {  	_ =	shalt  }
0x7c: {  	_ =	shalt  }
0x7d: {  	_ =	shalt  }
0x7e: {  	_ =	shalt  }
0x7f: {  	_ =	shalt  }
0x80: {  	_ =	shalt  }
0x81: {  	_ =	shalt  }
0x82: {  	_ =	shalt  }
0x83: {  	_ =	shalt  }
0x84: {  	_ =	shalt  }
0x85: {  	_ =	shalt  }
0x86: {  	_ =	shalt  }
0x87: {  	_ =	shalt  }
.Lfunc_end0:
.L_simem_size_0:
called_computation_lowered:
.L_overlay_start_0:
0x88: {  	s2 =	sld [smem:$0x3FD9]  }
0x89: {  	s3 =	sld [smem:$0x3FFE];
	_ =	sdelay $0x1  }
0x8a: {  	s1 =	srdreg.scid  }
0x8b: {  	s0 =	sand.u32 $0x1, s1  }
0x8c: {  	s17 =	sshll.u32 s0, $0xA;
	s2 =	sadd.s32 s3, s2  }
0x8d: {  	s2 =	sadd.s32 s2, s17  }
0x8e: {  	[smem:$0x3FC0] =	sst s2  }
0x8f: {  	_ = 	snop  }
0x90: {  	s18 =	sld [smem:$0x3FD0];
	(tm) =	ssettm $0x1  }
0x91: {  	s19 =	sld [smem:$0x3FFB];
	_ =	sdelay $0x3  }
0x92: {  	_ =	strace s19  }
0x93: {  	s2 =	sld [smem:$0x3FFC];
	_ =	sdelay $0x3  }
0x94: {  	_ =	strace s2  }
0x95: {  	s2 =	sld [smem:$0x3FFD];
	_ =	sdelay $0x3  }
0x96: {  	_ =	strace s2  }
0x97: {  	_ =	strace $0x8FFFFFFF  }
0x98: {  	s20 =	sld [smem:$0x3FDB];
	_ =	sdelay $0x1  }
0x99: {  	s4 =	simm.s32 $_scs_section_size  }
0x9a: {  	s5 =	simm.s32 $_size__tile_overlayer_lowered;
	s6 =	simm.s32 $_tile_overlayer_lowered  }
0x9b: {  	s7 =	simm.s32 $0x1BFF;
	s21 =	sshll.u32 s6, $0x1;
	s4 =	sadd.s32 s4, s20  }
0x9c: {  	s22 =	simm.s32 $0x0;
	s5 =	sshll.u32 s5, $0x1;
	s6 =	sadd.s32 s21, s4  }
0x9d: {  	[timem:s22], [sflag:s7] =	dma.local [hbm:s6], s5  }
0x9e: {  	_ =	swait.ge [sflag:s7], s5  }
0x9f: {  	s5 =	ssub.s32 $0x0, s5;
	[sflag:s7] =	ssyncset.done $0x0  }
0xa0: {  	[sflag:s7] =	ssyncadd.s32 s5;
	_ =	sdelay $0x1  }
0xa1: {  	s23 =	simm.s32 $0x1B8B  }
0xa2: {  	_ =	swait.ge [sflag:s23], $0x1  }
0xa3: {  	[sflag:s23] =	ssyncset.done $0x0  }
0xa4: {  	[sflag:s23] =	ssyncadd.s32 $0xFFFFFFFF  }
0xa5: {  	s5 =	sld [smem:$0x0]  }
0xa6: {  	s6 =	sand.u32 $0xFFFFFFFE, s1  }
0xa7: {  	p0 =	sne.s32 s1, s6  }
0xa8: {  	s6 =	sshll.u32 @p0 s6, $0xE  }
0xa9: {  	s6 =	sadd.s32 @p0 $0x11B8D, s6;
	s7 =	sshll.u32 @p0 s5, $0x11  }
0xaa: {  	s6 =	sor.u32 @p0 s7, s6  }
0xab: {  	[sflag:s6] =	ssyncadd.remote.s32 @p0 $0x1;
	_ =	sdelay $0x1  }
0xac: {  	s6 =	simm.s32 @p0 $0x1B8D  }
0xad: {  	_ =	swait.eq @p0 [sflag:s6], $0x1  }
0xae: {  	[sflag:s6] =	ssyncadd.s32 @p0 $0xFFFFFFFF  }
0xaf: {  	s7 =	sshll.u32 @!p0 s1, $0xE  }
0xb0: {  	s7 =	sor.u32 @!p0 $0x4000, s7;
	s6 =	simm.s32 @!p0 $0x1B8D  }
0xb1: {  	s5 =	sshll.u32 @!p0 s5, $0x11;
	s7 =	sadd.s32 @!p0 $0x11B8D, s7;
	_ =	swait.eq @!p0 [sflag:s6], $0x1  }
0xb2: {  	s5 =	sor.u32 @!p0 s5, s7;
	[sflag:s6] =	ssyncadd.s32 @!p0 $0xFFFFFFFF  }
0xb3: {  	s25 =	simm.s32 $0x1B8E;
	s24 =	sld [smem:$0x3FFE];
	[sflag:s5] =	ssyncadd.remote.s32 @!p0 $0x1  }
0xb4: {  	s26 =	simm.s32 $execute0_lowered;
	[smem:$0x3FD2] =	sst s25  }
0xb5: {  	s6 =	sshll.u32 s26, $0x1;
	_ =	strace $0x80000049;
	[dreg:$0x1] =	wrdreg $0xFFFFFFFF  }
0xb6: {  	s28 =	simm.s32 $_size_execute0_lowered;
	s4 =	sadd.s32 s4, s6;
	[dreg:$0x0] =	wrdreg $0x0  }
0xb7: {  	s6 =	sshll.u32 s28, $0x1;
	[dreg:$0x2] =	wrdreg s4  }
0xb8: {  	[dreg:$0x3] =	wrdreg s6  }
0xb9: {  	[dreg:$0x4] =	wrdreg $0xC0  }
0xba: {  	_ =	task [dreg:s22], $0x5FFFF  }
0xbb: {  	[dreg:$0x1] =	wrdreg $0xFFFFFFFF  }
0xbc: {  	[dreg:$0x0] =	wrdreg $0x60  }
0xbd: {  	[dreg:$0x2] =	wrdreg s18  }
0xbe: {  	[dreg:$0x3] =	wrdreg s24  }
0xbf: {  	[dreg:$0x4] =	wrdreg $0x70000  }
0xc0: {  	[dreg:$0x5] =	wrdreg $0x9  }
0xc1: {  	_ =	task.clear_ibuf [dreg:s22], $0x6FFFF;
	_ =	strace $0x90000049  }
0xc2: {  	s29 =	simm.s32 $0x9;
	_ =	strace $0x8000004B  }
0xc3: {  	_ =	swait.ge [sflag:s29], $0x1  }
0xc4: {  	[sflag:s29] =	ssyncadd.s32 $0xFFFFFFFF  }
0xc5: {  	_ =	strace $0x9000004B  }
0xc6: {  	_ =	sfence  }
0xc7: {  	s30 =	sld [smem:$0x0];
	_ =	sdelay $0x2  }
0xc8: {  	s31 =	sshll.u32 s1, $0xD;
	s1 =	sshrl.u32 s1, $0x2  }
0xc9: {  	s4 =	sand.u32 $0x4000, s31;
	s1 =	sadd.s32 s1, s30  }
0xca: {  	s0 =	sor.u32 s4, s0;
	s1 =	sshll.u32 s1, $0x11  }
0xcb: {  	s0 =	sor.u32 s1, s0  }
0xcc: {  	s0 =	sadd.s32 $0x8F2B, s0  }
0xcd: {  	[sflag:s0] =	ssyncadd.remote.s32 $0x1  }
0xce: {  	_ =	sfence.sel $0xFFFF  }
0xcf: {  	[dreg:$0x0] =	wrdreg $0xFFFFFFFF;
	(pc) =	sbr.abs _section_cstart, $3  }
0xd0: {  	[dreg:$0x1] =	wrdreg $0xFFFFFFFF  }
0xd1: {  	_ =	task.clear_ibuf [dreg:s22], $0x2FFFF;
	_ =	strace $0x9FFFFFFF  }
0xd2: {  	(tm) =	ssettm $0x7FFFFFFF  }
0xd3: {  	_ =	shalt  }
tec
execute0_lowered:
.L_overlay_start_1:
0x0: {  	(tag) =	ssettag $0x1  }
0x1: {  	s5 =	rddreg [dreg:$0x0]  }
0x2: {  	s4 =	rddreg [dreg:$0x1]  }
0x3: {  	s2 =	rddreg [dreg:$0x2]  }
0x4: {  	s0 =	rddreg [dreg:$0x3]  }
0x5: {  	s3 =	simm.s32 $0x0;
	s6 =	srdreg.scid;
	s1 =	stileid.u32  }
0x6: {  	s11 =	simm.s32 $0x2800;
	s14 =	simm.s32 $0x0;
	s7 =	smul.u32 $0x2800, s1  }
0x7: {  	[smem:$0x7FF] =	sst s3;
	s6 =	sand.u32 $0x1, s6;
	s10 =	smul.u32 $0x50000, s1  }
0x8: {  	s12 =	sshll.u32 s1, $0x6;
	_ =	strace $0x8000004A;
	s8 =	smul.u32 $0x28000, s6  }
0x9: {  	s9 =	sshll.u32 s6, $0x4;
	s6 =	ssub.s32 $0x2, s6;
	s12 =	sor.u32 $0x1C01, s12  }
0xa: {  	s9 =	sor.u32 s1, s9;
	s30 =	sshrl.u32 s6, $0x1;
	s31 =	sshrl.u32 s10, $0x2  }
0xb: {  	s10 =	simm.s32 $0x80;
	s7 =	sadd.s32 s7, s8;
	s9 =	smul.u32 $0x500, s9  }
0xc: {  	s8 =	ssub.s32 s6, s30;
	s7 =	sadd.s32 s7, s4;
	s4 =	sadd.s32 s31, s2  }
0xd: {  	s5 =	sadd.s32 s5, s9;
	s6 =	sadd.s32 $0xB7400, s7;
	s7 =	smax.u32 s8, $0x1  }
0xe: {  	v0 =	vimm.f32 $0.0e+00;
	v1 =	vimm.f32 $1.000000000e+00;
	s8 =	simm.s32 $0x6800;
	s9 =	simm.s32 $0x1;
	s13 =	sshrl.u32 s4, $0x3  }
.LBB2_1:
0xf: {  	s15 =	sand.u32 $0x1E00, s3  }
0x10: {  	s17 =	sand.u32 $0x70, s3;
	s15 =	sshrl.u32 s15, $0x2  }
0x11: {  	s16 =	simm.s32 $0x40;
	s18 =	sor.u32 s17, s15;
	s17 =	simm.s32 $0x0  }
.LBB2_2:
0x12: {  	p0 =	sne.s32 s16, $0x1FC0  }
0x13: {  	[tilespmem:s18+$0x6800] =	vst v0;
	s17 =	sadd.s32 $0x10, s17;
	s15 =	smov.u32 s16;
	s16 =	sadd.s32 $0x40, s16  }
.Ltmp0:
0x14: {  	(pc) =	sbr.rel @p0 .LBB2_2-.Ltmp0, $4  }
0x15: {  	_ = 	snop  }
0x16: {  	s15 =	sand.u32 $0x1E00, s15  }
0x17: {  	s18 =	sand.u32 $0x70, s17;
	s15 =	sshrl.u32 s15, $0x2  }
0x18: {  	s18 =	sor.u32 s18, s15;
	s15 =	simm.s32 $0x0  }
0x19: {  	[tilespmem:s18+$0x6800] =	vst v0;
	s16 =	sadd.s32 $0x0, s4  }
0x1a: {  	[spmem:s16] =	stream.linear.scatter [tilespmem:s8], [sflag:$0x1], $0x800, $0x38;
	[tilespmem:$0x1B000] =	vst v63  }
0x1b: {  	s16 =	simm.s32 $0x2000;
	_ =	swait.ge [sflag:s9], $0x800  }
.LBB2_4:
0x1c: {  	s17 =	sshra.s32 s16, $0x2;
	[sflag:s9] =	ssyncset.done $0x0;
	p0 =	sne.s32 s16, $0x4E000  }
.Ltmp1:
0x1d: {  	s17 =	sadd.s32 s17, s4;
	[sflag:s9] =	ssyncadd.s32 $0xFFFFF800;
	(pc) =	sbr.rel @p0 .LBB2_4-.Ltmp1, $3  }
0x1e: {  	[spmem:s17] =	stream.linear.scatter [tilespmem:s8], [sflag:$0x1], $0x800, $0x38;
	[tilespmem:$0x1B000] =	vst v63  }
0x1f: {  	s16 =	sadd.s32 $0x2000, s16;
	_ =	sdelay $0x1  }
0x20: {  	_ =	swait.ge [sflag:s9], $0x800  }
0x21: {  	s16 =	sand.u32 $0xFE00, s15  }
0x22: {  	[sflag:s9] =	ssyncset.done $0x0;
	s17 =	sand.u32 $0x70, s15;
	s18 =	sshrl.u32 s16, $0x2  }
0x23: {  	[sflag:s9] =	ssyncadd.s32 $0xFFFFF800;
	s16 =	simm.s32 $0x40;
	s17 =	sor.u32 s17, s18  }
.LBB2_6:
0x24: {  	p0 =	sne.s32 s16, $0xFFC0  }
0x25: {  	[tilespmem:s17+$0x2800] =	vst v1;
	s15 =	sadd.s32 $0x10, s15;
	s17 =	smov.u32 s16;
	s16 =	sadd.s32 $0x40, s16  }
.Ltmp2:
0x26: {  	(pc) =	sbr.rel @p0 .LBB2_6-.Ltmp2, $4  }
0x27: {  	_ = 	snop  }
0x28: {  	s17 =	sand.u32 $0xFE00, s17  }
0x29: {  	s18 =	sand.u32 $0x70, s15;
	s17 =	sshrl.u32 s17, $0x2  }
0x2a: {  	s17 =	sor.u32 s18, s17  }
0x2b: {  	[tilespmem:s17+$0x2800] =	vst v1;
	s15 =	simm.s32 $0x0  }
0x2c: {  	[tilespmem:s15], [sflag:$0x1] =	stream.linear.gather [hbm4b:s5+s15], $0x2800, $0x38;
	[tilespmem:$0x1B000] =	vst v63  }
0x2d: {  	_ =	swait.ge [sflag:s9], $0x2800  }
0x2e: {  	[sflag:s9] =	ssyncset.done $0x0  }
0x2f: {  	[sflag:s9] =	ssyncadd.s32 $0xFFFFD800  }
0x30: {  	s31 =	simm.s32 $0x0;
	[bflag:$0x0] =	sbarrier.arrive $0xFFFF  }
0x31: {  	[spmem:s2] =	stream.indirect.scatter.add.f32 [tilespmem:s11], [sflag:$0x1], $0x80, s31, s10, $0xb8;
	[tilespmem:$0x1B000] =	vst v63  }
0x32: {  	_ =	swait.ge [sflag:s9], $0x4000  }
0x33: {  	s15 =	simm.s32 $0x200;
	[sflag:s9] =	ssyncset.done $0x0  }
.LBB2_8:
0x34: {  	s16 =	sshra.s32 s15, $0x2;
	[sflag:s9] =	ssyncadd.s32 $0xFFFFC000;
	p0 =	sne.s32 s15, $0x9E00  }
0x35: {  	[spmem:s2] =	stream.indirect.scatter.add.f32 [tilespmem:s11], [sflag:$0x1], $0x80, s16, s10, $0xb8;
	[tilespmem:$0x1B000] =	vst v63  }
.Ltmp3:
0x36: {  	_ = 	snop;
	(pc) =	sbr.rel @p0 .LBB2_8-.Ltmp3, $4  }
0x37: {  	_ = 	snop  }
0x38: {  	s15 =	sadd.s32 $0x200, s15  }
0x39: {  	_ =	swait.ge [sflag:s9], $0x4000  }
0x3a: {  	[sflag:s9] =	ssyncset.done $0x0  }
0x3b: {  	s14 =	sadd.s32 $0x1, s14  }
0x3c: {  	[sflag:s9] =	ssyncadd.s32 $0xFFFFC000;
	p0 =	sne.s32 s14, s7  }
.Ltmp4:
0x3d: {  	[bflag:$0x0] =	sbarrier.arrive $0xFFFF;
	(pc) =	sbr.rel @p0 .LBB2_1-.Ltmp4, $4  }
0x3e: {  	[hbm:s6], [sflag:s12] =	dma.local [spmem:s13], $0x2800  }
0x3f: {  	_ =	swait.ge [sflag:s9], $0x2800  }
0x40: {  	[sflag:s9] =	ssyncset.done $0x0  }
0x41: {  	[sflag:s9] =	ssyncadd.s32 $0xFFFFD800  }
0x42: {  	_ =	sfence.sel $0x180000  }
0x43: {  	[bflag:$0x0] =	sbarrier.arrive $0xFFFF  }
0x44: {  	p0 =	sne.s32 s1, $0x0;
	_ =	strace $0x9000004A  }
0x45: {  	s0 =	sadd.s32 @!p0 $0x100000, s0;
	[bflag:$0x2] =	sbarrier.arrive $0xFFFF  }
0x46: {  	[sflag:s0] =	ssyncadd.tile.s32 @!p0 $0x1;
	_ =	shalt  }
.Lfunc_end2:
_tile_overlayer_lowered:
.L_overlay_start_2:
0x47: {  	(tag) =	ssettag $0x2  }
0x48: {  	s0 =	rddreg [dreg:$0x0];
	s2 =	stileid.u32  }
0x49: {  	s1 =	rddreg [dreg:$0x1];
	p0 =	sne.s32 s2, $0x0  }
0x4a: {  	s3 =	rddreg [dreg:$0x2];
	[bflag:$0x3] =	sbarrier.arrive $0xFFFF;
	s2 =	simm.s32 @!p0 $0x1C01  }
0x4b: {  	[timem:s3], [sflag:s2] =	dma.local @!p0 [hbm:s0], s1  }
0x4c: {  	s0 =	simm.s32 @!p0 $0x1  }
0x4d: {  	_ =	swait.ge @!p0 [sflag:s0], s1  }
0x4e: {  	s1 =	ssub.s32 @!p0 $0x0, s1;
	[sflag:s0] =	ssyncset.done @!p0 $0x0  }
0x4f: {  	[sflag:s0] =	ssyncadd.s32 @!p0 s1  }
0x50: {  	[bflag:$0x3] =	sbarrier.arrive $0xFFFF  }
0x51: {  	_ =	shalt  }

</sc_bundles>
